<compile_context>
chip_gen: v7x
topology: tpu7x:2x2x1
jax: 0.10.2.dev20260603
libtpu: 0.0.44.dev20260713+nightly
codegen_flags: <defaults>
</compile_context>

<pallas_src>
import functools

import jax
import jax.numpy as jnp
from jax import lax
from jax.experimental import pallas as pl
from jax.experimental.pallas import tpu as pltpu
from jax.experimental.pallas import tpu_sc as plsc

H = 768
E = 64
EI = 96
N = 4096
B = 96
T_MAX = -(-N // B) + E - 1
P = T_MAX * B

MB = 128
NMB = N // MB
TL = 128

RB = 512
NRB = N // RB
NW = 32
RPW = N // NW



def _route_meta_body(x_ref, wr_ref, dst_ref, ie_ref, ib_ref, ni_ref,
                     ids_s, counts_s):
    t = pl.program_id(0)
    iota_e = lax.broadcasted_iota(jnp.int32, (E, 1), 0)

    @pl.when(t < NRB)
    def _route():
        logits = lax.dot_general(wr_ref[...], x_ref[...],
                                 (((1,), (1,)), ((), ())),
                                 preferred_element_type=jnp.float32)
        m = jnp.max(logits, axis=0, keepdims=True)
        ids = jnp.min(jnp.where(logits == m,
                                lax.broadcasted_iota(jnp.int32, (E, RB), 0),
                                E), axis=0, keepdims=True)
        ids_s[pl.ds((RB // MB) * t, RB // MB), :] = ids.reshape(RB // MB, MB)
        oh = (ids == iota_e).astype(jnp.int32)

        @pl.when(t == 0)
        def _():
            counts_s[...] = jnp.zeros((E, 1), jnp.int32)

        counts_s[...] += jnp.sum(oh, axis=1, keepdims=True)

    @pl.when(t == NRB)
    def _finalize():
        tlane = lax.broadcasted_iota(jnp.int32, (1, TL), 1)
        tril = (lax.broadcasted_iota(jnp.int32, (MB, 1), 0)
                < lax.broadcasted_iota(jnp.int32, (1, MB), 1)
                ).astype(jnp.float32)
        tri_e = (lax.broadcasted_iota(jnp.int32, (E, 1), 0)
                 >= lax.broadcasted_iota(jnp.int32, (1, E), 1)
                 ).astype(jnp.float32)

        counts = counts_s[...]
        blocks_e = (counts + B - 1) // B
        cumblk = lax.dot_general(tri_e, blocks_e.astype(jnp.float32),
                                 (((1,), (0,)), ((), ())),
                                 preferred_element_type=jnp.float32
                                 ).astype(jnp.int32)
        cumblk_excl = cumblk - blocks_e
        pad_start = cumblk_excl * B
        ni = jnp.sum(blocks_e)

        ie_raw = jnp.sum((cumblk <= tlane).astype(jnp.int32), axis=0)
        tl = tlane[0]
        ie_at_last = jnp.sum(jnp.where(tl == ni - 1, ie_raw, 0))
        ie_ref[...] = jnp.where(tl < ni, ie_raw, ie_at_last)
        ib_ref[...] = jnp.minimum(tl, ni - 1)
        ni_ref[...] = jnp.full((TL,), ni, jnp.int32)

        def body_b(i, counts2):
            oh = (ids_s[pl.ds(i, 1), :] == iota_e).astype(jnp.int32)
            ohf = oh.astype(jnp.float32)
            rank = lax.dot_general(ohf, tril, (((1,), (0,)), ((), ())),
                                   preferred_element_type=jnp.float32
                                   ).astype(jnp.int32)
            base = pad_start + counts2
            dst = jnp.sum(oh * (base + rank), axis=0)
            dst_ref[pl.ds(i * MB, MB)] = dst
            return counts2 + jnp.sum(oh, axis=1, keepdims=True)

        lax.fori_loop(0, NMB, body_b, jnp.zeros((E, 1), jnp.int32))


def _dispatch_meta(x2d, Wr):
    dst, ie, ib, ni = pl.pallas_call(
        _route_meta_body,
        grid=(NRB + 1,),
        in_specs=[
            pl.BlockSpec((RB, H), lambda t: (jnp.minimum(t, NRB - 1), 0)),
            pl.BlockSpec((E, H), lambda t: (0, 0)),
        ],
        out_specs=[
            pl.BlockSpec((N,), lambda t: (0,)),
            pl.BlockSpec((TL,), lambda t: (0,)),
            pl.BlockSpec((TL,), lambda t: (0,)),
            pl.BlockSpec((TL,), lambda t: (0,)),
        ],
        out_shape=[
            jax.ShapeDtypeStruct((N,), jnp.int32),
            jax.ShapeDtypeStruct((TL,), jnp.int32),
            jax.ShapeDtypeStruct((TL,), jnp.int32),
            jax.ShapeDtypeStruct((TL,), jnp.int32),
        ],
        scratch_shapes=[
            pltpu.VMEM((NMB, MB), jnp.int32),
            pltpu.VMEM((E, 1), jnp.int32),
        ],
        compiler_params=pltpu.CompilerParams(
            dimension_semantics=("arbitrary",)),
    )(x2d, Wr)
    return ie, ib, ni, dst



def _sc_wid():
    return lax.axis_index("s") * 2 + lax.axis_index("c")


@functools.cache
def _sc_permute_kernels():
    mesh = plsc.VectorSubcoreMesh(core_axis_name="c", subcore_axis_name="s")
    scratch = [
        pltpu.VMEM((RPW,), jnp.int32),
        pltpu.VMEM((RPW, H), jnp.float32),
        pltpu.SemaphoreType.DMA,
    ]
    @functools.partial(
        pl.kernel,
        out_type=jax.ShapeDtypeStruct((P, H), jnp.float32),
        mesh=mesh,
        scratch_types=scratch,
    )
    def sc_scatter(x_hbm, idx_hbm, out_hbm, idx_v, rows_v, sem):
        base = _sc_wid() * RPW
        pltpu.sync_copy(idx_hbm.at[pl.ds(base, RPW)], idx_v)
        pltpu.sync_copy(x_hbm.at[pl.ds(base, RPW)], rows_v)
        pltpu.async_copy(rows_v, out_hbm.at[idx_v], sem).wait()

    @functools.partial(
        pl.kernel,
        out_type=jax.ShapeDtypeStruct((N, H), jnp.float32),
        mesh=mesh,
        scratch_types=scratch,
    )
    def sc_gather(src_hbm, idx_hbm, out_hbm, idx_v, rows_v, sem):
        base = _sc_wid() * RPW
        pltpu.sync_copy(idx_hbm.at[pl.ds(base, RPW)], idx_v)
        pltpu.async_copy(src_hbm.at[idx_v], rows_v, sem).wait()
        pltpu.sync_copy(rows_v, out_hbm.at[pl.ds(base, RPW)])

    return sc_scatter, sc_gather



def _mlp_body(ie_ref, ib_ref, ni_ref, x_ref, wg_ref, wu_ref, wd_ref, o_ref):
    t = pl.program_id(0)

    @pl.when(t < ni_ref[0])
    def _():
        xb = x_ref[...]
        g = lax.dot_general(xb, wg_ref[...], (((1,), (1,)), ((), ())),
                            preferred_element_type=jnp.float32)
        u = lax.dot_general(xb, wu_ref[...], (((1,), (1,)), ((), ())),
                            preferred_element_type=jnp.float32)
        h = g * jax.nn.sigmoid(g) * u
        o_ref[...] = lax.dot_general(h, wd_ref[...], (((1,), (0,)), ((), ())),
                                     preferred_element_type=jnp.float32)


def _grouped_mlp(x_pad, Wg, Wu, Wd, item_expert, item_block, num_items):
    grid_spec = pltpu.PrefetchScalarGridSpec(
        num_scalar_prefetch=3,
        grid=(T_MAX,),
        in_specs=[
            pl.BlockSpec((B, H), lambda t, ie, ib, ni: (ib[t], 0)),
            pl.BlockSpec((EI, H), lambda t, ie, ib, ni: (ie[t], 0)),
            pl.BlockSpec((EI, H), lambda t, ie, ib, ni: (ie[t], 0)),
            pl.BlockSpec((EI, H), lambda t, ie, ib, ni: (ie[t], 0)),
        ],
        out_specs=pl.BlockSpec((B, H), lambda t, ie, ib, ni: (ib[t], 0)),
    )
    return pl.pallas_call(
        _mlp_body,
        grid_spec=grid_spec,
        out_shape=jax.ShapeDtypeStruct((P, H), jnp.float32),
        compiler_params=pltpu.CompilerParams(
            dimension_semantics=("arbitrary",)),
    )(item_expert, item_block, num_items, x_pad,
      Wg.reshape(E * EI, H), Wu.reshape(E * EI, H),
      jnp.swapaxes(Wd, 1, 2).reshape(E * EI, H))



def kernel(x, Wr, Wg, Wu, Wd):
    x2d = x.reshape(N, H)
    sc_scatter, sc_gather = _sc_permute_kernels()
    item_expert, item_block, num_items, dst_token = _dispatch_meta(x2d, Wr)
    x_pad = sc_scatter(x2d, dst_token)
    out_pad = _grouped_mlp(x_pad, Wg, Wu, Wd, item_expert, item_block,
                           num_items)
    out2d = sc_gather(out_pad, dst_token)
    return out2d.reshape(x.shape)

# --- scband reference (transcript-rebuilt; emitter-appended) ---
"""Pipeline reference for scband-standard-top-kmo-e-49821620634172 (READ-ONLY COPY).

The authoritative reference and input builder live on the scoring server;
editing this copy changes nothing except your own understanding.
"""

import jax, jax.numpy as jnp
import numpy as np

H = 768
I = 3072
E = 64
K = 1
EI = I // (E // 2)  # 96, matching torch expert_inter = intermediate_size // (num_experts // 2)


def setup_inputs(seed: int = 0) -> dict:
    key = jax.random.key(seed)
    ks = jax.random.split(key, 5)
    x = jax.random.normal(ks[0], (2, 2048, H), dtype=jnp.float32)
    Wr = jax.random.normal(ks[1], (E, H), dtype=jnp.float32) * 0.02
    Wg = jax.random.normal(ks[2], (E, EI, H), dtype=jnp.float32) * 0.02
    Wu = jax.random.normal(ks[3], (E, EI, H), dtype=jnp.float32) * 0.02
    Wd = jax.random.normal(ks[4], (E, H, EI), dtype=jnp.float32) * 0.02
    return {"x": x, "Wr": Wr, "Wg": Wg, "Wu": Wu, "Wd": Wd}


def reference(x, Wr, Wg, Wu, Wd):
    # router: nn.Linear(hidden, num_experts, bias=False) -> x @ Wr.T
    logits = x @ Wr.T
    probs = jax.nn.softmax(logits, axis=-1)
    topk_w, topk_idx = jax.lax.top_k(probs, K)
    topk_w = topk_w / jnp.sum(topk_w, axis=-1, keepdims=True)
    output = jnp.zeros_like(x)
    for i in range(E):
        sel = (topk_idx == i)
        w = jnp.sum(topk_w * sel.astype(x.dtype), axis=-1, keepdims=True)
        g = x @ Wg[i].T
        u = x @ Wu[i].T
        e_out = (jax.nn.silu(g) * u) @ Wd[i].T
        output = output + w * e_out
    return output.astype(x.dtype)

if __name__ == "__main__":
    import jax
    _d = setup_inputs()
    print(jax.jit(kernel)(*tuple(_d.values())))

</pallas_src>

<mosaic_0001>
#map = affine_map<(d0, d1) -> (0, 0)>
#map1 = affine_map<(d0, d1) -> (0)>
module attributes {stable_mosaic.version = 14 : i64} {
  func.func @sc_gather(%arg0: i32, %arg1: i32, %arg2: memref<10176x768xf32, #tpu.memory_space<hbm>>, %arg3: memref<4096xi32, #tpu.memory_space<hbm>>, %arg4: memref<4096x768xf32, #tpu.memory_space<hbm>>, %arg5: memref<128xi32, #tpu.memory_space<vmem>>, %arg6: memref<128x768xf32, #tpu.memory_space<vmem>>, %arg7: memref<!tpu.dma_semaphore, #tpu.memory_space<semaphore_mem>>) attributes {dimension_semantics = [#tpu.dimension_semantics<core_parallel>, #tpu.dimension_semantics<subcore_parallel>], iteration_bounds = array<i64: 2, 16>, scalar_prefetch = 0 : i64, scratch_operands = 3 : i64, tpu.core_type = #tpu.core_type<sc_vector_subcore>, window_params = [{transform_indices = #map}, {transform_indices = #map1}, {transform_indices = #map}]} {
    %mul3A = arith.constant 2 : i32
    %mul3A_0 = arith.muli %arg1, %mul3A : i32
    %add3A = arith.addi %mul3A_0, %arg0 : i32
    %mul3A_1 = arith.constant 128 : i32
    %mul3A_2 = arith.muli %add3A, %mul3A_1 : i32
    "tpu.region"() ({
      %run_scoped3A = tpu.sem_alloc : memref<!tpu.dma_semaphore, #tpu.memory_space<semaphore_mem>>
      %dma_start3A_7 = tpu.memref_slice %arg3[%mul3A_2] : memref<4096xi32, #tpu.memory_space<hbm>> -> memref<128xi32, #tpu.memory_space<hbm>>
      %dma_start3A_8 = tpu.memref_slice %arg3[%mul3A_2] : memref<4096xi32, #tpu.memory_space<hbm>> -> memref<128xi32, #tpu.memory_space<hbm>>
      tpu.enqueue_dma source(%dma_start3A_8 : memref<128xi32, #tpu.memory_space<hbm>>) target(%arg5 : memref<128xi32, #tpu.memory_space<vmem>>) target_semaphore(%run_scoped3A : memref<!tpu.dma_semaphore, #tpu.memory_space<semaphore_mem>>)
      %dma_wait3A_9 = tpu.memref_slice %arg3[%mul3A_2] : memref<4096xi32, #tpu.memory_space<hbm>> -> memref<128xi32, #tpu.memory_space<hbm>>
      %dma_wait3A_10 = tpu.memref_slice %arg3[%mul3A_2] : memref<4096xi32, #tpu.memory_space<hbm>> -> memref<128xi32, #tpu.memory_space<hbm>>
      tpu.wait_dma2 semaphore(%run_scoped3A : memref<!tpu.dma_semaphore, #tpu.memory_space<semaphore_mem>>) src(%dma_wait3A_10 : memref<128xi32, #tpu.memory_space<hbm>>) dst(%arg5 : memref<128xi32, #tpu.memory_space<vmem>>)
      tpu.yield
    }) : () -> ()
    %dma_start3A = arith.constant 0 : i32
    %dma_start3A_3 = arith.constant 0 : i32
    %dma_start3A_4 = tpu.memref_slice %arg2[%dma_start3A, %dma_start3A_3] : memref<10176x768xf32, #tpu.memory_space<hbm>> -> memref<10176x768xf32, #tpu.memory_space<hbm>>
    tpu.enqueue_indirect_dma source(%dma_start3A_4 : memref<10176x768xf32, #tpu.memory_space<hbm>>) target(%arg6 : memref<128x768xf32, #tpu.memory_space<vmem>>) offsets(%arg5 : memref<128xi32, #tpu.memory_space<vmem>>) semaphore(%arg7 : memref<!tpu.dma_semaphore, #tpu.memory_space<semaphore_mem>>)
    %dma_wait3A = arith.constant 0 : i32
    %dma_wait3A_5 = arith.constant 0 : i32
    %dma_wait3A_6 = tpu.memref_slice %arg2[%dma_wait3A, %dma_wait3A_5] : memref<10176x768xf32, #tpu.memory_space<hbm>> -> memref<10176x768xf32, #tpu.memory_space<hbm>>
    tpu.wait_indirect_dma semaphore(%arg7 : memref<!tpu.dma_semaphore, #tpu.memory_space<semaphore_mem>>) src(%dma_wait3A_6 : memref<10176x768xf32, #tpu.memory_space<hbm>>) dst(%arg6 : memref<128x768xf32, #tpu.memory_space<vmem>>)
    "tpu.region"() ({
      %run_scoped3A = tpu.sem_alloc : memref<!tpu.dma_semaphore, #tpu.memory_space<semaphore_mem>>
      %dma_start3A_7 = arith.constant 0 : i32
      %dma_start3A_8 = tpu.memref_slice %arg4[%mul3A_2, %dma_start3A_7] : memref<4096x768xf32, #tpu.memory_space<hbm>> -> memref<128x768xf32, #tpu.memory_space<hbm>>
      %dma_start3A_9 = arith.constant 0 : i32
      %dma_start3A_10 = tpu.memref_slice %arg4[%mul3A_2, %dma_start3A_9] : memref<4096x768xf32, #tpu.memory_space<hbm>> -> memref<128x768xf32, #tpu.memory_space<hbm>>
      tpu.enqueue_dma source(%arg6 : memref<128x768xf32, #tpu.memory_space<vmem>>) target(%dma_start3A_10 : memref<128x768xf32, #tpu.memory_space<hbm>>) target_semaphore(%run_scoped3A : memref<!tpu.dma_semaphore, #tpu.memory_space<semaphore_mem>>)
      %dma_wait3A_11 = arith.constant 0 : i32
      %dma_wait3A_12 = tpu.memref_slice %arg4[%mul3A_2, %dma_wait3A_11] : memref<4096x768xf32, #tpu.memory_space<hbm>> -> memref<128x768xf32, #tpu.memory_space<hbm>>
      %dma_wait3A_13 = arith.constant 0 : i32
      %dma_wait3A_14 = tpu.memref_slice %arg4[%mul3A_2, %dma_wait3A_13] : memref<4096x768xf32, #tpu.memory_space<hbm>> -> memref<128x768xf32, #tpu.memory_space<hbm>>
      tpu.wait_dma2 semaphore(%run_scoped3A : memref<!tpu.dma_semaphore, #tpu.memory_space<semaphore_mem>>) src(%arg6 : memref<128x768xf32, #tpu.memory_space<vmem>>) dst(%dma_wait3A_14 : memref<128x768xf32, #tpu.memory_space<hbm>>)
      tpu.yield
    }) : () -> ()
    return
  }
}

#map = affine_map<(d0, d1) -> (0, 0)>
#map1 = affine_map<(d0, d1) -> (0)>
module attributes {stable_mosaic.version = 14 : i64} {
  func.func @sc_scatter(%arg0: i32, %arg1: i32, %arg2: memref<4096x768xf32, #tpu.memory_space<hbm>>, %arg3: memref<4096xi32, #tpu.memory_space<hbm>>, %arg4: memref<10176x768xf32, #tpu.memory_space<hbm>>, %arg5: memref<128xi32, #tpu.memory_space<vmem>>, %arg6: memref<128x768xf32, #tpu.memory_space<vmem>>, %arg7: memref<!tpu.dma_semaphore, #tpu.memory_space<semaphore_mem>>) attributes {dimension_semantics = [#tpu.dimension_semantics<core_parallel>, #tpu.dimension_semantics<subcore_parallel>], iteration_bounds = array<i64: 2, 16>, scalar_prefetch = 0 : i64, scratch_operands = 3 : i64, tpu.core_type = #tpu.core_type<sc_vector_subcore>, window_params = [{transform_indices = #map}, {transform_indices = #map1}, {transform_indices = #map}]} {
    %mul3A = arith.constant 2 : i32
    %mul3A_0 = arith.muli %arg1, %mul3A : i32
    %add3A = arith.addi %mul3A_0, %arg0 : i32
    %mul3A_1 = arith.constant 128 : i32
    %mul3A_2 = arith.muli %add3A, %mul3A_1 : i32
    "tpu.region"() ({
      %run_scoped3A = tpu.sem_alloc : memref<!tpu.dma_semaphore, #tpu.memory_space<semaphore_mem>>
      %dma_start3A_7 = tpu.memref_slice %arg3[%mul3A_2] : memref<4096xi32, #tpu.memory_space<hbm>> -> memref<128xi32, #tpu.memory_space<hbm>>
      %dma_start3A_8 = tpu.memref_slice %arg3[%mul3A_2] : memref<4096xi32, #tpu.memory_space<hbm>> -> memref<128xi32, #tpu.memory_space<hbm>>
      tpu.enqueue_dma source(%dma_start3A_8 : memref<128xi32, #tpu.memory_space<hbm>>) target(%arg5 : memref<128xi32, #tpu.memory_space<vmem>>) target_semaphore(%run_scoped3A : memref<!tpu.dma_semaphore, #tpu.memory_space<semaphore_mem>>)
      %dma_wait3A_9 = tpu.memref_slice %arg3[%mul3A_2] : memref<4096xi32, #tpu.memory_space<hbm>> -> memref<128xi32, #tpu.memory_space<hbm>>
      %dma_wait3A_10 = tpu.memref_slice %arg3[%mul3A_2] : memref<4096xi32, #tpu.memory_space<hbm>> -> memref<128xi32, #tpu.memory_space<hbm>>
      tpu.wait_dma2 semaphore(%run_scoped3A : memref<!tpu.dma_semaphore, #tpu.memory_space<semaphore_mem>>) src(%dma_wait3A_10 : memref<128xi32, #tpu.memory_space<hbm>>) dst(%arg5 : memref<128xi32, #tpu.memory_space<vmem>>)
      tpu.yield
    }) : () -> ()
    "tpu.region"() ({
      %run_scoped3A = tpu.sem_alloc : memref<!tpu.dma_semaphore, #tpu.memory_space<semaphore_mem>>
      %dma_start3A_7 = arith.constant 0 : i32
      %dma_start3A_8 = tpu.memref_slice %arg2[%mul3A_2, %dma_start3A_7] : memref<4096x768xf32, #tpu.memory_space<hbm>> -> memref<128x768xf32, #tpu.memory_space<hbm>>
      %dma_start3A_9 = arith.constant 0 : i32
      %dma_start3A_10 = tpu.memref_slice %arg2[%mul3A_2, %dma_start3A_9] : memref<4096x768xf32, #tpu.memory_space<hbm>> -> memref<128x768xf32, #tpu.memory_space<hbm>>
      tpu.enqueue_dma source(%dma_start3A_10 : memref<128x768xf32, #tpu.memory_space<hbm>>) target(%arg6 : memref<128x768xf32, #tpu.memory_space<vmem>>) target_semaphore(%run_scoped3A : memref<!tpu.dma_semaphore, #tpu.memory_space<semaphore_mem>>)
      %dma_wait3A_11 = arith.constant 0 : i32
      %dma_wait3A_12 = tpu.memref_slice %arg2[%mul3A_2, %dma_wait3A_11] : memref<4096x768xf32, #tpu.memory_space<hbm>> -> memref<128x768xf32, #tpu.memory_space<hbm>>
      %dma_wait3A_13 = arith.constant 0 : i32
      %dma_wait3A_14 = tpu.memref_slice %arg2[%mul3A_2, %dma_wait3A_13] : memref<4096x768xf32, #tpu.memory_space<hbm>> -> memref<128x768xf32, #tpu.memory_space<hbm>>
      tpu.wait_dma2 semaphore(%run_scoped3A : memref<!tpu.dma_semaphore, #tpu.memory_space<semaphore_mem>>) src(%dma_wait3A_14 : memref<128x768xf32, #tpu.memory_space<hbm>>) dst(%arg6 : memref<128x768xf32, #tpu.memory_space<vmem>>)
      tpu.yield
    }) : () -> ()
    %dma_start3A = arith.constant 0 : i32
    %dma_start3A_3 = arith.constant 0 : i32
    %dma_start3A_4 = tpu.memref_slice %arg4[%dma_start3A, %dma_start3A_3] : memref<10176x768xf32, #tpu.memory_space<hbm>> -> memref<10176x768xf32, #tpu.memory_space<hbm>>
    tpu.enqueue_indirect_dma source(%arg6 : memref<128x768xf32, #tpu.memory_space<vmem>>) target(%dma_start3A_4 : memref<10176x768xf32, #tpu.memory_space<hbm>>) offsets(%arg5 : memref<128xi32, #tpu.memory_space<vmem>>) semaphore(%arg7 : memref<!tpu.dma_semaphore, #tpu.memory_space<semaphore_mem>>)
    %dma_wait3A = arith.constant 0 : i32
    %dma_wait3A_5 = arith.constant 0 : i32
    %dma_wait3A_6 = tpu.memref_slice %arg4[%dma_wait3A, %dma_wait3A_5] : memref<10176x768xf32, #tpu.memory_space<hbm>> -> memref<10176x768xf32, #tpu.memory_space<hbm>>
    tpu.wait_indirect_dma semaphore(%arg7 : memref<!tpu.dma_semaphore, #tpu.memory_space<semaphore_mem>>) src(%arg6 : memref<128x768xf32, #tpu.memory_space<vmem>>) dst(%dma_wait3A_6 : memref<10176x768xf32, #tpu.memory_space<hbm>>)
    return
  }
}

module attributes {stable_mosaic.version = 14 : i64} {
  func.func @_mlp_body(%arg0: i32, %arg1: memref<128xi32, #tpu.memory_space<smem>>, %arg2: memref<128xi32, #tpu.memory_space<smem>>, %arg3: memref<128xi32, #tpu.memory_space<smem>>, %arg4: memref<96x768xf32, #tpu.memory_space<vmem>>, %arg5: memref<96x768xf32, #tpu.memory_space<vmem>>, %arg6: memref<96x768xf32, #tpu.memory_space<vmem>>, %arg7: memref<96x768xf32, #tpu.memory_space<vmem>>, %arg8: memref<96x768xf32, #tpu.memory_space<vmem>>) attributes {dimension_semantics = [#tpu.dimension_semantics<arbitrary>], iteration_bounds = array<i64: 106>, scalar_prefetch = 3 : i64, scratch_operands = 0 : i64, tpu.core_type = #tpu.core_type<tc>, window_params = [{transform_indices = @transform_0, window_bounds = array<i64: 96, 768>}, {transform_indices = @transform_1, window_bounds = array<i64: 96, 768>}, {transform_indices = @transform_2, window_bounds = array<i64: 96, 768>}, {transform_indices = @transform_3, window_bounds = array<i64: 96, 768>}, {transform_indices = @transform_4, window_bounds = array<i64: 96, 768>}]} {
    %get3A = arith.constant 0 : index
    %get3A_0 = memref.load %arg3[%get3A] : memref<128xi32, #tpu.memory_space<smem>>
    %lt3A = arith.cmpi slt, %arg0, %get3A_0 : i32
    %convert_element_type3A = arith.extui %lt3A : i1 to i32
    %cond3A = arith.constant 0 : i32
    %cond3A_1 = arith.cmpi ne, %convert_element_type3A, %cond3A : i32
    scf.if %cond3A_1 {
      %get3A_2 = arith.constant 0 : index
      %get3A_3 = arith.constant 0 : index
      %get3A_4 = vector.load %arg4[%get3A_2, %get3A_3] : memref<96x768xf32, #tpu.memory_space<vmem>>, vector<96x768xf32>
      %get3A_5 = arith.constant 0 : index
      %get3A_6 = arith.constant 0 : index
      %get3A_7 = vector.load %arg5[%get3A_5, %get3A_6] : memref<96x768xf32, #tpu.memory_space<vmem>>, vector<96x768xf32>
      %dot_general3A = arith.constant dense<0.000000e+00> : vector<96x96xf32>
      %dot_general3A_8 = tpu.matmul %get3A_4, %get3A_7, %dot_general3A {dimension_numbers = #tpu.dot_dimension_numbers<[1], [1], [0], [0], [0, 0, 1, 0], [], []>, transpose_lhs_hint = false} : vector<96x768xf32>, vector<96x768xf32>, vector<96x96xf32> -> vector<96x96xf32>
      %get3A_9 = arith.constant 0 : index
      %get3A_10 = arith.constant 0 : index
      %get3A_11 = vector.load %arg6[%get3A_9, %get3A_10] : memref<96x768xf32, #tpu.memory_space<vmem>>, vector<96x768xf32>
      %dot_general3A_12 = arith.constant dense<0.000000e+00> : vector<96x96xf32>
      %dot_general3A_13 = tpu.matmul %get3A_4, %get3A_11, %dot_general3A_12 {dimension_numbers = #tpu.dot_dimension_numbers<[1], [1], [0], [0], [0, 0, 1, 0], [], []>, transpose_lhs_hint = false} : vector<96x768xf32>, vector<96x768xf32>, vector<96x96xf32> -> vector<96x96xf32>
      %logistic3A = arith.negf %dot_general3A_8 : vector<96x96xf32>
      %logistic3A_14 = math.exp %logistic3A : vector<96x96xf32>
      %logistic3A_15 = arith.constant 1.000000e+00 : f32
      %logistic3A_16 = vector.broadcast %logistic3A_15 : f32 to vector<96x96xf32>
      %logistic3A_17 = arith.addf %logistic3A_16, %logistic3A_14 : vector<96x96xf32>
      %logistic3A_18 = arith.divf %logistic3A_16, %logistic3A_17 : vector<96x96xf32>
      %mul3A = arith.mulf %dot_general3A_8, %logistic3A_18 : vector<96x96xf32>
      %mul3A_19 = arith.mulf %mul3A, %dot_general3A_13 : vector<96x96xf32>
      %get3A_20 = arith.constant 0 : index
      %get3A_21 = arith.constant 0 : index
      %get3A_22 = vector.load %arg7[%get3A_20, %get3A_21] : memref<96x768xf32, #tpu.memory_space<vmem>>, vector<96x768xf32>
      %dot_general3A_23 = arith.constant dense<0.000000e+00> : vector<96x768xf32>
      %dot_general3A_24 = tpu.matmul %mul3A_19, %get3A_22, %dot_general3A_23 {dimension_numbers = #tpu.dot_dimension_numbers<[1], [0], [0], [1], [0, 0, 1, 1], [], []>, transpose_lhs_hint = false} : vector<96x96xf32>, vector<96x768xf32>, vector<96x768xf32> -> vector<96x768xf32>
      %swap3A = arith.constant 0 : index
      %swap3A_25 = arith.constant 0 : index
      %swap3A_26 = vector.load %arg8[%swap3A, %swap3A_25] : memref<96x768xf32, #tpu.memory_space<vmem>>, vector<96x768xf32>
      tpu.vector_store %arg8[%swap3A, %swap3A_25], %dot_general3A_24 {strides = array<i32>} : memref<96x768xf32, #tpu.memory_space<vmem>>, vector<96x768xf32>,
    } else {
    }
    return
  }
  func.func @transform_0(%arg0: i32, %arg1: memref<128xi32, #tpu.memory_space<smem>>, %arg2: memref<128xi32, #tpu.memory_space<smem>>, %arg3: memref<128xi32, #tpu.memory_space<smem>>) -> (i32, i32) {
    %get3A = arith.index_cast %arg0 : i32 to index
    %get3A_0 = memref.load %arg2[%get3A] : memref<128xi32, #tpu.memory_space<smem>>
    %c0_i32 = arith.constant 0 : i32
    %c0_i32_1 = arith.constant 0 : i32
    return %get3A_0, %c0_i32 : i32, i32
  }
  func.func @transform_1(%arg0: i32, %arg1: memref<128xi32, #tpu.memory_space<smem>>, %arg2: memref<128xi32, #tpu.memory_space<smem>>, %arg3: memref<128xi32, #tpu.memory_space<smem>>) -> (i32, i32) {
    %get3A = arith.index_cast %arg0 : i32 to index
    %get3A_0 = memref.load %arg1[%get3A] : memref<128xi32, #tpu.memory_space<smem>>
    %c0_i32 = arith.constant 0 : i32
    %c0_i32_1 = arith.constant 0 : i32
    return %get3A_0, %c0_i32 : i32, i32
  }
  func.func @transform_2(%arg0: i32, %arg1: memref<128xi32, #tpu.memory_space<smem>>, %arg2: memref<128xi32, #tpu.memory_space<smem>>, %arg3: memref<128xi32, #tpu.memory_space<smem>>) -> (i32, i32) {
    %get3A = arith.index_cast %arg0 : i32 to index
    %get3A_0 = memref.load %arg1[%get3A] : memref<128xi32, #tpu.memory_space<smem>>
    %c0_i32 = arith.constant 0 : i32
    %c0_i32_1 = arith.constant 0 : i32
    return %get3A_0, %c0_i32 : i32, i32
  }
  func.func @transform_3(%arg0: i32, %arg1: memref<128xi32, #tpu.memory_space<smem>>, %arg2: memref<128xi32, #tpu.memory_space<smem>>, %arg3: memref<128xi32, #tpu.memory_space<smem>>) -> (i32, i32) {
    %get3A = arith.index_cast %arg0 : i32 to index
    %get3A_0 = memref.load %arg1[%get3A] : memref<128xi32, #tpu.memory_space<smem>>
    %c0_i32 = arith.constant 0 : i32
    %c0_i32_1 = arith.constant 0 : i32
    return %get3A_0, %c0_i32 : i32, i32
  }
  func.func @transform_4(%arg0: i32, %arg1: memref<128xi32, #tpu.memory_space<smem>>, %arg2: memref<128xi32, #tpu.memory_space<smem>>, %arg3: memref<128xi32, #tpu.memory_space<smem>>) -> (i32, i32) {
    %get3A = arith.index_cast %arg0 : i32 to index
    %get3A_0 = memref.load %arg2[%get3A] : memref<128xi32, #tpu.memory_space<smem>>
    %c0_i32 = arith.constant 0 : i32
    %c0_i32_1 = arith.constant 0 : i32
    return %get3A_0, %c0_i32 : i32, i32
  }
}

module attributes {stable_mosaic.version = 14 : i64} {
  func.func @_route_meta_body(%arg0: i32, %arg1: memref<512x768xf32, #tpu.memory_space<vmem>>, %arg2: memref<64x768xf32, #tpu.memory_space<vmem>>, %arg3: memref<4096xi32, #tpu.memory_space<vmem>>, %arg4: memref<128xi32, #tpu.memory_space<vmem>>, %arg5: memref<128xi32, #tpu.memory_space<vmem>>, %arg6: memref<128xi32, #tpu.memory_space<vmem>>, %arg7: memref<32x128xi32, #tpu.memory_space<vmem>>, %arg8: memref<64x1xi32, #tpu.memory_space<vmem>>) attributes {dimension_semantics = [#tpu.dimension_semantics<arbitrary>], iteration_bounds = array<i64: 9>, scalar_prefetch = 0 : i64, scratch_operands = 2 : i64, tpu.core_type = #tpu.core_type<tc>, window_params = [{transform_indices = @transform_0, window_bounds = array<i64: 512, 768>}, {pipeline_mode = #tpu.pipeline_mode<synchronous>, transform_indices = @transform_1, window_bounds = array<i64: 64, 768>}, {pipeline_mode = #tpu.pipeline_mode<synchronous>, transform_indices = @transform_2, window_bounds = array<i64: 4096>}, {pipeline_mode = #tpu.pipeline_mode<synchronous>, transform_indices = @transform_3, window_bounds = array<i64: 128>}, {pipeline_mode = #tpu.pipeline_mode<synchronous>, transform_indices = @transform_4, window_bounds = array<i64: 128>}, {pipeline_mode = #tpu.pipeline_mode<synchronous>, transform_indices = @transform_5, window_bounds = array<i64: 128>}]} {
    %iota3A = tpu.iota {dimensions = array<i32: 0>} : vector<64x1xi32>
    %lt3A = arith.constant 8 : i32
    %lt3A_0 = arith.cmpi slt, %arg0, %lt3A : i32
    %convert_element_type3A = arith.extui %lt3A_0 : i1 to i32
    %cond3A = arith.constant 0 : i32
    %cond3A_1 = arith.cmpi ne, %convert_element_type3A, %cond3A : i32
    scf.if %cond3A_1 {
      %get3A = arith.constant 0 : index
      %get3A_6 = arith.constant 0 : index
      %get3A_7 = vector.load %arg2[%get3A, %get3A_6] : memref<64x768xf32, #tpu.memory_space<vmem>>, vector<64x768xf32>
      %get3A_8 = arith.constant 0 : index
      %get3A_9 = arith.constant 0 : index
      %get3A_10 = vector.load %arg1[%get3A_8, %get3A_9] : memref<512x768xf32, #tpu.memory_space<vmem>>, vector<512x768xf32>
      %dot_general3A = arith.constant dense<0.000000e+00> : vector<64x512xf32>
      %dot_general3A_11 = tpu.matmul %get3A_7, %get3A_10, %dot_general3A {dimension_numbers = #tpu.dot_dimension_numbers<[1], [1], [0], [0], [0, 0, 1, 0], [], []>, transpose_lhs_hint = false} : vector<64x768xf32>, vector<512x768xf32>, vector<64x512xf32> -> vector<64x512xf32>
      %reduce_max3A = arith.constant dense<0xFF800000> : vector<512xf32>
      %reduce_max3A_12 = vector.multi_reduction <maximumf>, %dot_general3A_11, %reduce_max3A [0] : vector<64x512xf32> to vector<512xf32>
      %broadcast_in_dim3A = vector.shape_cast %reduce_max3A_12 : vector<512xf32> to vector<1x512xf32>
      %eq3A_13 = vector.broadcast %broadcast_in_dim3A : vector<1x512xf32> to vector<64x512xf32>
      %eq3A_14 = arith.cmpf oeq, %dot_general3A_11, %eq3A_13 : vector<64x512xf32>
      %iota3A_15 = tpu.iota {dimensions = array<i32: 0>} : vector<64x512xi32>
      %jit3A = arith.constant 64 : i32
      %broadcast_in_dim3A_16 = vector.broadcast %jit3A : i32 to vector<64x512xi32>
      %select_n3A = arith.select %eq3A_14, %iota3A_15, %broadcast_in_dim3A_16 : vector<64x512xi1>, vector<64x512xi32>
      %reduce_min3A = arith.constant dense<2147483647> : vector<512xi32>
      %reduce_min3A_17 = vector.multi_reduction <minsi>, %select_n3A, %reduce_min3A [0] : vector<64x512xi32> to vector<512xi32>
      %broadcast_in_dim3A_18 = vector.shape_cast %reduce_min3A_17 : vector<512xi32> to vector<1x512xi32>
      %reshape3A = vector.shape_cast %broadcast_in_dim3A_18 : vector<1x512xi32> to vector<4x128xi32>
      %mul3A = arith.constant 4 : i32
      %mul3A_19 = arith.muli %mul3A, %arg0 : i32
      %swap3A = arith.index_cast %mul3A_19 : i32 to index
      %swap3A_20 = arith.constant 0 : index
      %swap3A_21 = vector.load %arg7[%swap3A, %swap3A_20] : memref<32x128xi32, #tpu.memory_space<vmem>>, vector<4x128xi32>
      tpu.vector_store %arg7[%swap3A, %swap3A_20], %reshape3A {strides = array<i32>} : memref<32x128xi32, #tpu.memory_space<vmem>>, vector<4x128xi32>,
      %eq3A_22 = vector.broadcast %broadcast_in_dim3A_18 : vector<1x512xi32> to vector<64x512xi32>
      %eq3A_23 = vector.broadcast %iota3A : vector<64x1xi32> to vector<64x512xi32>
      %eq3A_24 = arith.cmpi eq, %eq3A_22, %eq3A_23 : vector<64x512xi32>
      %convert_element_type3A_25 = arith.extui %eq3A_24 : vector<64x512xi1> to vector<64x512xi32>
      %eq3A_26 = arith.constant 0 : i32
      %eq3A_27 = arith.cmpi eq, %arg0, %eq3A_26 : i32
      %convert_element_type3A_28 = arith.extui %eq3A_27 : i1 to i32
      %cond3A_29 = arith.constant 0 : i32
      %cond3A_30 = arith.cmpi ne, %convert_element_type3A_28, %cond3A_29 : i32
      scf.if %cond3A_30 {
        %broadcast_in_dim3A_39 = arith.constant 0 : i32
        %broadcast_in_dim3A_40 = vector.broadcast %broadcast_in_dim3A_39 : i32 to vector<64x1xi32>
        %swap3A_41 = arith.constant 0 : index
        %swap3A_42 = arith.constant 0 : index
        %swap3A_43 = vector.load %arg8[%swap3A_41, %swap3A_42] : memref<64x1xi32, #tpu.memory_space<vmem>>, vector<64x1xi32>
        tpu.vector_store %arg8[%swap3A_41, %swap3A_42], %broadcast_in_dim3A_40 {strides = array<i32>} : memref<64x1xi32, #tpu.memory_space<vmem>>, vector<64x1xi32>,
      } else {
      }
      %get3A_31 = arith.constant 0 : index
      %get3A_32 = arith.constant 0 : index
      %get3A_33 = vector.load %arg8[%get3A_31, %get3A_32] : memref<64x1xi32, #tpu.memory_space<vmem>>, vector<64x1xi32>
      %reduce_sum3A = arith.constant dense<0> : vector<64xi32>
      %reduce_sum3A_34 = vector.multi_reduction <add>, %convert_element_type3A_25, %reduce_sum3A [1] : vector<64x512xi32> to vector<64xi32>
      %broadcast_in_dim3A_35 = vector.shape_cast %reduce_sum3A_34 : vector<64xi32> to vector<64x1xi32>
      %add3A = arith.addi %get3A_33, %broadcast_in_dim3A_35 : vector<64x1xi32>
      %swap3A_36 = arith.constant 0 : index
      %swap3A_37 = arith.constant 0 : index
      %swap3A_38 = vector.load %arg8[%swap3A_36, %swap3A_37] : memref<64x1xi32, #tpu.memory_space<vmem>>, vector<64x1xi32>
      tpu.vector_store %arg8[%swap3A_36, %swap3A_37], %add3A {strides = array<i32>} : memref<64x1xi32, #tpu.memory_space<vmem>>, vector<64x1xi32>,
    } else {
    }
    %eq3A = arith.constant 8 : i32
    %eq3A_2 = arith.cmpi eq, %arg0, %eq3A : i32
    %convert_element_type3A_3 = arith.extui %eq3A_2 : i1 to i32
    %cond3A_4 = arith.constant 0 : i32
    %cond3A_5 = arith.cmpi ne, %convert_element_type3A_3, %cond3A_4 : i32
    scf.if %cond3A_5 {
      %iota3A_6 = tpu.iota {dimensions = array<i32: 1>} : vector<1x128xi32>
      %iota3A_7 = tpu.iota {dimensions = array<i32: 0>} : vector<128x1xi32>
      %iota3A_8 = tpu.iota {dimensions = array<i32: 1>} : vector<1x128xi32>
      %lt3A_9 = vector.broadcast %iota3A_7 : vector<128x1xi32> to vector<128x128xi32>
      %lt3A_10 = vector.broadcast %iota3A_8 : vector<1x128xi32> to vector<128x128xi32>
      %lt3A_11 = arith.cmpi slt, %lt3A_9, %lt3A_10 : vector<128x128xi32>
      %convert_element_type3A_12 = arith.extui %lt3A_11 : vector<128x128xi1> to vector<128x128xi32>
      %convert_element_type3A_13 = arith.sitofp %convert_element_type3A_12 : vector<128x128xi32> to vector<128x128xf32>
      %iota3A_14 = tpu.iota {dimensions = array<i32: 0>} : vector<64x1xi32>
      %iota3A_15 = tpu.iota {dimensions = array<i32: 1>} : vector<1x64xi32>
      %ge3A = vector.broadcast %iota3A_14 : vector<64x1xi32> to vector<64x64xi32>
      %ge3A_16 = vector.broadcast %iota3A_15 : vector<1x64xi32> to vector<64x64xi32>
      %ge3A_17 = arith.cmpi sge, %ge3A, %ge3A_16 : vector<64x64xi32>
      %convert_element_type3A_18 = arith.extui %ge3A_17 : vector<64x64xi1> to vector<64x64xi32>
      %convert_element_type3A_19 = arith.sitofp %convert_element_type3A_18 : vector<64x64xi32> to vector<64x64xf32>
      %get3A = arith.constant 0 : index
      %get3A_20 = arith.constant 0 : index
      %get3A_21 = vector.load %arg8[%get3A, %get3A_20] : memref<64x1xi32, #tpu.memory_space<vmem>>, vector<64x1xi32>
      %add3A = arith.constant 96 : i32
      %add3A_22 = vector.broadcast %add3A : i32 to vector<64x1xi32>
      %add3A_23 = arith.addi %get3A_21, %add3A_22 : vector<64x1xi32>
      %sub3A = arith.constant 1 : i32
      %sub3A_24 = vector.broadcast %sub3A : i32 to vector<64x1xi32>
      %sub3A_25 = arith.subi %add3A_23, %sub3A_24 : vector<64x1xi32>
      %jit3A = arith.constant 96 : i32
      %div3A = vector.broadcast %jit3A : i32 to vector<64x1xi32>
      %div3A_26 = arith.divsi %sub3A_25, %div3A : vector<64x1xi32>
      %sign3A = arith.constant 0 : i32
      %sign3A_27 = vector.broadcast %sign3A : i32 to vector<64x1xi32>
      %sign3A_28 = arith.cmpi sgt, %sub3A_25, %sign3A_27 : vector<64x1xi32>
      %sign3A_29 = arith.extui %sign3A_28 : vector<64x1xi1> to vector<64x1xi32>
      %sign3A_30 = arith.constant 0 : i32
      %sign3A_31 = vector.broadcast %sign3A_30 : i32 to vector<64x1xi32>
      %sign3A_32 = arith.cmpi slt, %sub3A_25, %sign3A_31 : vector<64x1xi32>
      %sign3A_33 = arith.extui %sign3A_32 : vector<64x1xi1> to vector<64x1xi32>
      %sign3A_34 = arith.subi %sign3A_29, %sign3A_33 : vector<64x1xi32>
      %sign3A_35 = arith.constant 0 : i32
      %sign3A_36 = arith.cmpi sgt, %jit3A, %sign3A_35 : i32
      %sign3A_37 = arith.extui %sign3A_36 : i1 to i32
      %sign3A_38 = arith.constant 0 : i32
      %sign3A_39 = arith.cmpi slt, %jit3A, %sign3A_38 : i32
      %sign3A_40 = arith.extui %sign3A_39 : i1 to i32
      %sign3A_41 = arith.subi %sign3A_37, %sign3A_40 : i32
      %ne3A = vector.broadcast %sign3A_41 : i32 to vector<64x1xi32>
      %ne3A_42 = arith.cmpi ne, %sign3A_34, %ne3A : vector<64x1xi32>
      %rem3A = vector.broadcast %jit3A : i32 to vector<64x1xi32>
      %rem3A_43 = arith.remsi %sub3A_25, %rem3A : vector<64x1xi32>
      %ne3A_44 = arith.constant 0 : i32
      %ne3A_45 = vector.broadcast %ne3A_44 : i32 to vector<64x1xi32>
      %ne3A_46 = arith.cmpi ne, %rem3A_43, %ne3A_45 : vector<64x1xi32>
      %and3A = arith.andi %ne3A_42, %ne3A_46 : vector<64x1xi1>
      %sub3A_47 = arith.constant 1 : i32
      %sub3A_48 = vector.broadcast %sub3A_47 : i32 to vector<64x1xi32>
      %sub3A_49 = arith.subi %div3A_26, %sub3A_48 : vector<64x1xi32>
      %select_n3A = arith.select %and3A, %sub3A_49, %div3A_26 : vector<64x1xi1>, vector<64x1xi32>
      %convert_element_type3A_50 = arith.sitofp %select_n3A : vector<64x1xi32> to vector<64x1xf32>
      %dot_general3A = arith.constant dense<0.000000e+00> : vector<64x1xf32>
      %dot_general3A_51 = tpu.matmul %convert_element_type3A_19, %convert_element_type3A_50, %dot_general3A {dimension_numbers = #tpu.dot_dimension_numbers<[1], [0], [0], [1], [0, 0, 1, 1], [], []>, transpose_lhs_hint = false} : vector<64x64xf32>, vector<64x1xf32>, vector<64x1xf32> -> vector<64x1xf32>
      %convert_element_type3A_52 = arith.fptosi %dot_general3A_51 : vector<64x1xf32> to vector<64x1xi32>
      %sub3A_53 = arith.subi %convert_element_type3A_52, %select_n3A : vector<64x1xi32>
      %mul3A = arith.constant 96 : i32
      %mul3A_54 = vector.broadcast %mul3A : i32 to vector<64x1xi32>
      %mul3A_55 = arith.muli %sub3A_53, %mul3A_54 : vector<64x1xi32>
      %reduce_sum3A = vector.shape_cast %select_n3A : vector<64x1xi32> to vector<1x64x1xi32>
      %reduce_sum3A_56 = arith.constant dense<0> : vector<1xi32>
      %reduce_sum3A_57 = vector.multi_reduction <add>, %reduce_sum3A, %reduce_sum3A_56 [1, 2] : vector<1x64x1xi32> to vector<1xi32>
      %reduce_sum3A_58 = vector.shape_cast %reduce_sum3A_57 : vector<1xi32> to vector<1x1x1xi32>
      %reduce_sum3A_59 = vector.extract %reduce_sum3A_58[0, 0, 0] : i32 from vector<1x1x1xi32>
      %le3A = vector.broadcast %convert_element_type3A_52 : vector<64x1xi32> to vector<64x128xi32>
      %le3A_60 = vector.broadcast %iota3A_6 : vector<1x128xi32> to vector<64x128xi32>
      %le3A_61 = arith.cmpi sle, %le3A, %le3A_60 : vector<64x128xi32>
      %convert_element_type3A_62 = arith.extui %le3A_61 : vector<64x128xi1> to vector<64x128xi32>
      %reduce_sum3A_63 = arith.constant dense<0> : vector<128xi32>
      %reduce_sum3A_64 = vector.multi_reduction <add>, %convert_element_type3A_62, %reduce_sum3A_63 [0] : vector<64x128xi32> to vector<128xi32>
      %squeeze3A = vector.shape_cast %iota3A_6 : vector<1x128xi32> to vector<128xi32>
      %sub3A_65 = arith.constant 1 : i32
      %sub3A_66 = arith.subi %reduce_sum3A_59, %sub3A_65 : i32
      %eq3A_67 = vector.broadcast %sub3A_66 : i32 to vector<128xi32>
      %eq3A_68 = arith.cmpi eq, %squeeze3A, %eq3A_67 : vector<128xi32>
      %jit3A_69 = arith.constant 0 : i32
      %broadcast_in_dim3A = vector.broadcast %jit3A_69 : i32 to vector<128xi32>
      %select_n3A_70 = arith.select %eq3A_68, %reduce_sum3A_64, %broadcast_in_dim3A : vector<128xi1>, vector<128xi32>
      %reduce_sum3A_71 = vector.shape_cast %select_n3A_70 : vector<128xi32> to vector<1x128xi32>
      %reduce_sum3A_72 = arith.constant dense<0> : vector<1xi32>
      %reduce_sum3A_73 = vector.multi_reduction <add>, %reduce_sum3A_71, %reduce_sum3A_72 [1] : vector<1x128xi32> to vector<1xi32>
      %reduce_sum3A_74 = vector.shape_cast %reduce_sum3A_73 : vector<1xi32> to vector<1x1xi32>
      %reduce_sum3A_75 = vector.extract %reduce_sum3A_74[0, 0] : i32 from vector<1x1xi32>
      %lt3A_76 = vector.broadcast %reduce_sum3A_59 : i32 to vector<128xi32>
      %lt3A_77 = arith.cmpi slt, %squeeze3A, %lt3A_76 : vector<128xi32>
      %broadcast_in_dim3A_78 = vector.broadcast %reduce_sum3A_75 : i32 to vector<128xi32>
      %select_n3A_79 = arith.select %lt3A_77, %reduce_sum3A_64, %broadcast_in_dim3A_78 : vector<128xi1>, vector<128xi32>
      %swap3A = arith.constant 0 : index
      %swap3A_80 = vector.load %arg4[%swap3A] : memref<128xi32, #tpu.memory_space<vmem>>, vector<128xi32>
      tpu.vector_store %arg4[%swap3A], %select_n3A_79 {strides = array<i32>} : memref<128xi32, #tpu.memory_space<vmem>>, vector<128xi32>,
      %sub3A_81 = arith.constant 1 : i32
      %sub3A_82 = arith.subi %reduce_sum3A_59, %sub3A_81 : i32
      %min3A = vector.broadcast %sub3A_82 : i32 to vector<128xi32>
      %min3A_83 = arith.minsi %squeeze3A, %min3A : vector<128xi32>
      %swap3A_84 = arith.constant 0 : index
      %swap3A_85 = vector.load %arg5[%swap3A_84] : memref<128xi32, #tpu.memory_space<vmem>>, vector<128xi32>
      tpu.vector_store %arg5[%swap3A_84], %min3A_83 {strides = array<i32>} : memref<128xi32, #tpu.memory_space<vmem>>, vector<128xi32>,
      %broadcast_in_dim3A_86 = vector.broadcast %reduce_sum3A_59 : i32 to vector<128xi32>
      %swap3A_87 = arith.constant 0 : index
      %swap3A_88 = vector.load %arg6[%swap3A_87] : memref<128xi32, #tpu.memory_space<vmem>>, vector<128xi32>
      tpu.vector_store %arg6[%swap3A_87], %broadcast_in_dim3A_86 {strides = array<i32>} : memref<128xi32, #tpu.memory_space<vmem>>, vector<128xi32>,
      %broadcast_in_dim3A_89 = arith.constant 0 : i32
      %broadcast_in_dim3A_90 = vector.broadcast %broadcast_in_dim3A_89 : i32 to vector<64x1xi32>
      %scan3A = arith.constant 0 : i32
      %scan3A_91 = arith.constant 32 : i32
      %scan3A_92 = arith.addi %scan3A, %scan3A_91 : i32
      %scan3A_93 = arith.constant 1 : i32
      %scan3A_94 = scf.for %scan3A_96 = %scan3A to %scan3A_92 step %scan3A_93 iter_args(%scan3A_97 = %broadcast_in_dim3A_90) -> (vector<64x1xi32>)  : i32 {
        %get3A_98 = arith.index_cast %scan3A_96 : i32 to index
        %get3A_99 = arith.constant 0 : index
        %get3A_100 = vector.load %arg7[%get3A_98, %get3A_99] : memref<32x128xi32, #tpu.memory_space<vmem>>, vector<1x128xi32>
        %eq3A_101 = vector.broadcast %get3A_100 : vector<1x128xi32> to vector<64x128xi32>
        %eq3A_102 = vector.broadcast %iota3A : vector<64x1xi32> to vector<64x128xi32>
        %eq3A_103 = arith.cmpi eq, %eq3A_101, %eq3A_102 : vector<64x128xi32>
        %convert_element_type3A_104 = arith.extui %eq3A_103 : vector<64x128xi1> to vector<64x128xi32>
        %convert_element_type3A_105 = arith.sitofp %convert_element_type3A_104 : vector<64x128xi32> to vector<64x128xf32>
        %dot_general3A_106 = arith.constant dense<0.000000e+00> : vector<64x128xf32>
        %dot_general3A_107 = tpu.matmul %convert_element_type3A_105, %convert_element_type3A_13, %dot_general3A_106 {dimension_numbers = #tpu.dot_dimension_numbers<[1], [0], [0], [1], [0, 0, 1, 1], [], []>, transpose_lhs_hint = false} : vector<64x128xf32>, vector<128x128xf32>, vector<64x128xf32> -> vector<64x128xf32>
        %convert_element_type3A_108 = arith.fptosi %dot_general3A_107 : vector<64x128xf32> to vector<64x128xi32>
        %add3A_109 = arith.addi %mul3A_55, %scan3A_97 : vector<64x1xi32>
        %add3A_110 = vector.broadcast %add3A_109 : vector<64x1xi32> to vector<64x128xi32>
        %add3A_111 = arith.addi %add3A_110, %convert_element_type3A_108 : vector<64x128xi32>
        %mul3A_112 = arith.muli %convert_element_type3A_104, %add3A_111 : vector<64x128xi32>
        %reduce_sum3A_113 = arith.constant dense<0> : vector<128xi32>
        %reduce_sum3A_114 = vector.multi_reduction <add>, %mul3A_112, %reduce_sum3A_113 [0] : vector<64x128xi32> to vector<128xi32>
        %mul3A_115 = arith.constant 128 : i32
        %mul3A_116 = arith.muli %scan3A_96, %mul3A_115 : i32
        %swap3A_117 = arith.index_cast %mul3A_116 : i32 to index
        %swap3A_118 = vector.load %arg3[%swap3A_117] : memref<4096xi32, #tpu.memory_space<vmem>>, vector<128xi32>
        tpu.vector_store %arg3[%swap3A_117], %reduce_sum3A_114 {strides = array<i32>} : memref<4096xi32, #tpu.memory_space<vmem>>, vector<128xi32>,
        %reduce_sum3A_119 = arith.constant dense<0> : vector<64xi32>
        %reduce_sum3A_120 = vector.multi_reduction <add>, %convert_element_type3A_104, %reduce_sum3A_119 [1] : vector<64x128xi32> to vector<64xi32>
        %broadcast_in_dim3A_121 = vector.shape_cast %reduce_sum3A_120 : vector<64xi32> to vector<64x1xi32>
        %add3A_122 = arith.addi %scan3A_97, %broadcast_in_dim3A_121 : vector<64x1xi32>
        scf.yield %add3A_122 : vector<64x1xi32>
      }
      %scan3A_95 = arith.constant 32 : i32
    } else {
    }
    return
  }
  func.func @transform_0(%arg0: i32) -> (i32, i32) {
    %min3A = arith.constant 7 : i32
    %min3A_0 = arith.minsi %arg0, %min3A : i32
    %c0_i32 = arith.constant 0 : i32
    %c0_i32_1 = arith.constant 0 : i32
    return %min3A_0, %c0_i32 : i32, i32
  }
  func.func @transform_1(%arg0: i32) -> (i32, i32) {
    %c0_i32 = arith.constant 0 : i32
    %c0_i32_0 = arith.constant 0 : i32
    %c0_i32_1 = arith.constant 0 : i32
    return %c0_i32, %c0_i32_0 : i32, i32
  }
  func.func @transform_2(%arg0: i32) -> i32 {
    %c0_i32 = arith.constant 0 : i32
    %c0_i32_0 = arith.constant 0 : i32
    return %c0_i32 : i32
  }
  func.func @transform_3(%arg0: i32) -> i32 {
    %c0_i32 = arith.constant 0 : i32
    %c0_i32_0 = arith.constant 0 : i32
    return %c0_i32 : i32
  }
  func.func @transform_4(%arg0: i32) -> i32 {
    %c0_i32 = arith.constant 0 : i32
    %c0_i32_0 = arith.constant 0 : i32
    return %c0_i32 : i32
  }
  func.func @transform_5(%arg0: i32) -> i32 {
    %c0_i32 = arith.constant 0 : i32
    %c0_i32_0 = arith.constant 0 : i32
    return %c0_i32 : i32
  }
}

</mosaic_0001>

<sc_bundles>
// kernel: kernel.6.cloned.1.call-start
scs
__scs_entry_jumppad:
0x0: {  	(pc) =	sbr.rel $0x88, $3  }
0x1: {  	(tag) =	ssettag $0x0;
	lr =	simm.s32 $0x1  }
0x2: {  	[smem:$0x3F9C] =	sst lr;
	_ =	strace $0xD0000000  }
0x3: {  	_ = 	snop  }
0x4: {  	_ = 	snop  }
0x5: {  	_ = 	snop  }
0x6: {  	_ = 	snop  }
0x7: {  	_ = 	snop  }
__scs_overlays_trampoline_lowered:
0x8: {  	[smem:$0x3FAB] =	sst s0  }
0x9: {  	[smem:$0x3FAC] =	sst s1  }
0xa: {  	[smem:$0x3FAD] =	sst s2  }
0xb: {  	[smem:$0x3FAE] =	sst s3  }
0xc: {  	[smem:$0x3FAF] =	sst s4  }
0xd: {  	[smem:$0x3FB0] =	sst s5  }
0xe: {  	[smem:$0x3FB1] =	sst s6  }
0xf: {  	[smem:$0x3FB2] =	sst s7  }
0x10: {  	[smem:$0x3FB3] =	sst s8  }
0x11: {  	[smem:$0x3FB4] =	sst s9;
	s0 =	simm.s32 @!p0 $0x0  }
0x12: {  	s1 =	sld [smem:$0x3F9A];
	s0 =	simm.s32 @p0 $0x1  }
0x13: {  	[smem:$0x3FB5] =	sst s0;
	s0 =	simm.s32 @!p1 $0x0  }
0x14: {  	s2 =	sld [smem:$0x3F99];
	s0 =	simm.s32 @p1 $0x1  }
0x15: {  	[smem:$0x3FB6] =	sst s0;
	s0 =	simm.s32 @!p2 $0x0  }
0x16: {  	s3 =	sld [smem:$0x3FDB];
	s0 =	simm.s32 @p2 $0x1  }
0x17: {  	s4 =	simm.s32 $0x1BF5;
	[smem:$0x3FB8] =	sst s0  }
0x18: {  	s0 =	sld [smem:$0x3F9B];
	_ =	swait.ge [sflag:s4], $0x0  }
0x19: {  	s7 =	sld [smem:$0x3F9C]  }
0x1a: {  	s8 =	sadd.s32 $0xFFFFE003, lr  }
0x1b: {  	s9 =	sadd.s32 $0xFFFFFEF7, lr;
	s5 =	simm.s32 $0xFFFFFFFF;
	p2 =	slt.u32 s8, $0xFFFFF086  }
0x1c: {  	p1 =	slt.u32 s9, $0xF7A;
	s5 =	simm.s32 @!p2 $0x0  }
0x1d: {  	s5 =	simm.s32 @p1 $0x1;
	p0 =	seq.s32 s7, s2  }
0x1e: {  	s7 =	smul.u32 @!p0 $0xF7A, s2;
	p2 =	seq.s32 @!p0 s5, $0x0  }
0x1f: {  	s9 =	smul.u32 $0xF7A, s1;
	s8 =	simm.s32 @!p0 $0x1BF5;
	p2 =	por !p2, p0  }
0x20: {  	[sflag:s8] =	ssyncset.s32 @!p0 $0xFFFFF086;
	s6 =	sadd.s32 @!p0 s3, s7;
	s7 =	simm.s32 @!p0 $0x108  }
0x21: {  	s3 =	sadd.s32 s3, s9;
	s6 =	sadd.s32 @!p0 $0x88, s6;
	s7 =	simm.s32 @p2 $0x1082  }
0x22: {  	[simem:s7], [sflag:s8] =	dma.local @!p0 [hbm:s6], $0xF7A  }
0x23: {  	s9 =	sor.u32 $0xD0000000, s2;
	s6 =	simm.s32 $0x108;
	_ =	swait.ge @!p0 [sflag:s8], $0x0  }
0x24: {  	s3 =	sadd.s32 $0x88, s3;
	s6 =	simm.s32 @!p1 $0x1082;
	[sflag:s4] =	ssyncset.s32 $0xFFFFF086  }
0x25: {  	[simem:s6], [sflag:s4] =	dma.local [hbm:s3], $0xF7A  }
0x26: {  	[smem:$0x3F9C] =	sst s1;
	(tag) =	ssettag s2;
	_ =	strace s9  }
0x27: {  	s1 =	sld [smem:$0x3FAC]  }
0x28: {  	s2 =	sld [smem:$0x3FAD]  }
0x29: {  	s4 =	sld [smem:$0x3FAF]  }
0x2a: {  	p0 =	seq.s32 s5, $0x0;
	s5 =	sld [smem:$0x3FB0]  }
0x2b: {  	s6 =	sld [smem:$0x3FB1]  }
0x2c: {  	s7 =	sld [smem:$0x3FB2]  }
0x2d: {  	s3 =	simm.s32 $0x108;
	s8 =	sld [smem:$0x3FB3]  }
0x2e: {  	s3 =	simm.s32 @!p0 $0x1082;
	s9 =	sld [smem:$0x3FB4]  }
0x2f: {  	lr =	sadd.s32 s0, s3;
	s0 =	sld [smem:$0x3FAB]  }
0x30: {  	s3 =	sld [smem:$0x3FAE]  }
0x31: {  	[smem:$0x3FB7] =	sst s10  }
0x32: {  	s10 =	sld [smem:$0x3FB5];
	_ =	sdelay $0x3  }
0x33: {  	p0 =	seq.s32 s10, $0x1;
	s10 =	sld [smem:$0x3FB7];
	_ =	sdelay $0x3  }
0x34: {  	[smem:$0x3FB7] =	sst s10  }
0x35: {  	s10 =	sld [smem:$0x3FB6];
	_ =	sdelay $0x3  }
0x36: {  	p1 =	seq.s32 s10, $0x1;
	s10 =	sld [smem:$0x3FB7];
	_ =	sdelay $0x3  }
0x37: {  	[smem:$0x3FB7] =	sst s10  }
0x38: {  	s10 =	sld [smem:$0x3FB8]  }
0x39: {  	_ = 	snop;
	(pc) =	sbr.ind lr, $3  }
0x3a: {  	_ = 	snop  }
0x3b: {  	_ = 	snop  }
0x3c: {  	p2 =	seq.s32 s10, $0x1;
	s10 =	sld [smem:$0x3FB7]  }
0x3d: {  	_ =	shalt  }
0x3e: {  	_ =	shalt  }
0x3f: {  	_ =	shalt  }
0x40: {  	_ =	shalt  }
0x41: {  	_ =	shalt  }
0x42: {  	_ =	shalt  }
0x43: {  	_ =	shalt  }
0x44: {  	_ =	shalt  }
0x45: {  	_ =	shalt  }
0x46: {  	_ =	shalt  }
0x47: {  	_ =	shalt  }
0x48: {  	_ =	shalt  }
0x49: {  	_ =	shalt  }
0x4a: {  	_ =	shalt  }
0x4b: {  	_ =	shalt  }
0x4c: {  	_ =	shalt  }
0x4d: {  	_ =	shalt  }
0x4e: {  	_ =	shalt  }
0x4f: {  	_ =	shalt  }
0x50: {  	_ =	shalt  }
0x51: {  	_ =	shalt  }
0x52: {  	_ =	shalt  }
0x53: {  	_ =	shalt  }
0x54: {  	_ =	shalt  }
0x55: {  	_ =	shalt  }
0x56: {  	_ =	shalt  }
0x57: {  	_ =	shalt  }
0x58: {  	_ =	shalt  }
0x59: {  	_ =	shalt  }
0x5a: {  	_ =	shalt  }
0x5b: {  	_ =	shalt  }
0x5c: {  	_ =	shalt  }
0x5d: {  	_ =	shalt  }
0x5e: {  	_ =	shalt  }
0x5f: {  	_ =	shalt  }
0x60: {  	_ =	shalt  }
0x61: {  	_ =	shalt  }
0x62: {  	_ =	shalt  }
0x63: {  	_ =	shalt  }
0x64: {  	_ =	shalt  }
0x65: {  	_ =	shalt  }
0x66: {  	_ =	shalt  }
0x67: {  	_ =	shalt  }
0x68: {  	_ =	shalt  }
0x69: {  	_ =	shalt  }
0x6a: {  	_ =	shalt  }
0x6b: {  	_ =	shalt  }
0x6c: {  	_ =	shalt  }
0x6d: {  	_ =	shalt  }
0x6e: {  	_ =	shalt  }
0x6f: {  	_ =	shalt  }
0x70: {  	_ =	shalt  }
0x71: {  	_ =	shalt  }
0x72: {  	_ =	shalt  }
0x73: {  	_ =	shalt  }
0x74: {  	_ =	shalt  }
0x75: {  	_ =	shalt  }
0x76: {  	_ =	shalt  }
0x77: {  	_ =	shalt  }
0x78: {  	_ =	shalt  }
0x79: {  	_ =	shalt  }
0x7a: {  	_ =	shalt  }
0x7b: {  	_ =	shalt  }
0x7c: {  	_ =	shalt  }
0x7d: {  	_ =	shalt  }
0x7e: {  	_ =	shalt  }
0x7f: {  	_ =	shalt  }
0x80: {  	_ =	shalt  }
0x81: {  	_ =	shalt  }
0x82: {  	_ =	shalt  }
0x83: {  	_ =	shalt  }
0x84: {  	_ =	shalt  }
0x85: {  	_ =	shalt  }
0x86: {  	_ =	shalt  }
0x87: {  	_ =	shalt  }
.Lfunc_end0:
.L_simem_size_0:
called_computation_lowered:
.L_overlay_start_0:
0x88: {  	s2 =	sld [smem:$0x3FD9]  }
0x89: {  	s3 =	sld [smem:$0x3FFE];
	_ =	sdelay $0x1  }
0x8a: {  	s1 =	srdreg.scid  }
0x8b: {  	s0 =	sand.u32 $0x1, s1  }
0x8c: {  	s17 =	sshll.u32 s0, $0xA;
	s2 =	sadd.s32 s3, s2  }
0x8d: {  	s2 =	sadd.s32 s2, s17  }
0x8e: {  	[smem:$0x3FC3] =	sst s2  }
0x8f: {  	_ = 	snop  }
0x90: {  	s2 =	sld [smem:$0x3FC9];
	(tm) =	ssettm $0x1  }
0x91: {  	s18 =	sld [smem:$0x3FFB];
	_ =	sdelay $0x3  }
0x92: {  	_ =	strace s18  }
0x93: {  	s3 =	sld [smem:$0x3FFC];
	_ =	sdelay $0x3  }
0x94: {  	_ =	strace s3  }
0x95: {  	s3 =	sld [smem:$0x3FFD];
	_ =	sdelay $0x3  }
0x96: {  	_ =	strace s3  }
0x97: {  	_ =	strace $0x8FFFFFFF  }
0x98: {  	s19 =	sld [smem:$0x3FDB];
	_ =	sdelay $0x1  }
0x99: {  	s4 =	simm.s32 $_scs_section_size  }
0x9a: {  	s5 =	simm.s32 $_size__tile_overlayer_lowered;
	s6 =	simm.s32 $_tile_overlayer_lowered  }
0x9b: {  	s22 =	simm.s32 $0x1BFF;
	s21 =	sshll.u32 s6, $0x1;
	s3 =	sadd.s32 s4, s19  }
0x9c: {  	s7 =	simm.s32 $0x0;
	s20 =	sshll.u32 s5, $0x1;
	s5 =	sadd.s32 s21, s3  }
0x9d: {  	[timem:s7], [sflag:s22] =	dma.local [hbm:s5], s20  }
0x9e: {  	_ =	swait.ge [sflag:s22], s20  }
0x9f: {  	s4 =	ssub.s32 $0x0, s20;
	[sflag:s22] =	ssyncset.done $0x0  }
0xa0: {  	[sflag:s22] =	ssyncadd.s32 s4;
	_ =	sdelay $0x1  }
0xa1: {  	s23 =	simm.s32 $0x1B8B  }
0xa2: {  	_ =	swait.ge [sflag:s23], $0x1  }
0xa3: {  	[sflag:s23] =	ssyncset.done $0x0  }
0xa4: {  	s25 =	simm.s32 $0x1B8E;
	s24 =	sld [smem:$0x3FFE];
	[sflag:s23] =	ssyncadd.s32 $0xFFFFFFFF  }
0xa5: {  	s26 =	simm.s32 $execute0_lowered;
	[smem:$0x3FD2] =	sst s25  }
0xa6: {  	s5 =	sshll.u32 s26, $0x1;
	_ =	strace $0x80000046;
	[dreg:$0x1] =	wrdreg $0xFFFFFFFF  }
0xa7: {  	s28 =	simm.s32 $_size_execute0_lowered;
	s3 =	sadd.s32 s3, s5;
	[dreg:$0x0] =	wrdreg $0x0  }
0xa8: {  	s5 =	sshll.u32 s28, $0x1;
	[dreg:$0x2] =	wrdreg s3  }
0xa9: {  	[dreg:$0x3] =	wrdreg s5  }
0xaa: {  	[dreg:$0x4] =	wrdreg $0xC0  }
0xab: {  	_ =	task [dreg:s7], $0x5FFFF  }
0xac: {  	[dreg:$0x1] =	wrdreg $0xFFFFFFFF  }
0xad: {  	[dreg:$0x0] =	wrdreg $0x60  }
0xae: {  	[dreg:$0x2] =	wrdreg s2  }
0xaf: {  	[dreg:$0x3] =	wrdreg s24  }
0xb0: {  	[dreg:$0x4] =	wrdreg $0x9  }
0xb1: {  	_ =	task.clear_ibuf [dreg:s7], $0x5FFFF;
	_ =	strace $0x90000046  }
0xb2: {  	s29 =	simm.s32 $0x9;
	_ =	strace $0x80000048  }
0xb3: {  	_ =	swait.ge [sflag:s29], $0x1  }
0xb4: {  	[sflag:s29] =	ssyncadd.s32 $0xFFFFFFFF  }
0xb5: {  	_ =	strace $0x90000048  }
0xb6: {  	_ =	sfence  }
0xb7: {  	s30 =	sld [smem:$0x0];
	_ =	sdelay $0x2  }
0xb8: {  	s31 =	sshll.u32 s1, $0xD;
	s1 =	sshrl.u32 s1, $0x2  }
0xb9: {  	s3 =	sand.u32 $0x4000, s31;
	s1 =	sadd.s32 s1, s30  }
0xba: {  	s0 =	sor.u32 s3, s0;
	s1 =	sshll.u32 s1, $0x11  }
0xbb: {  	s0 =	sor.u32 s1, s0  }
0xbc: {  	s0 =	sadd.s32 $0x8F2B, s0  }
0xbd: {  	[sflag:s0] =	ssyncadd.remote.s32 $0x1  }
0xbe: {  	_ =	sfence.sel $0xFFFF  }
0xbf: {  	[dreg:$0x0] =	wrdreg $0xFFFFFFFF;
	(pc) =	sbr.abs _section_cstart, $3  }
0xc0: {  	[dreg:$0x1] =	wrdreg $0xFFFFFFFF  }
0xc1: {  	_ =	task.clear_ibuf [dreg:s7], $0x2FFFF;
	_ =	strace $0x9FFFFFFF  }
0xc2: {  	(tm) =	ssettm $0x7FFFFFFF  }
0xc3: {  	_ =	shalt  }
tec
execute0_lowered:
.L_overlay_start_1:
0x0: {  	(tag) =	ssettag $0x1  }
0x1: {  	s3 =	rddreg [dreg:$0x0]  }
0x2: {  	s5 =	rddreg [dreg:$0x1];
	s2 =	simm.s32 $0x0  }
0x3: {  	s0 =	stileid.u32;
	s25 =	simm.s32 $0x880;
	[smem:$0x7FF] =	sst s2  }
0x4: {  	s26 =	simm.s32 $0x1080;
	_ =	strace $0x80000047;
	[dreg:$0x5] =	wrdreg s25  }
0x5: {  	s4 =	sshll.u32 s0, $0x5;
	s0 =	simm.s32 $0x1880;
	[dreg:$0x6] =	wrdreg s26  }
0x6: {  	s7 =	simm.s32 $0x3080;
	[dreg:$0x7] =	wrdreg s0  }
0x7: {  	s8 =	simm.s32 $0x3880;
	[dreg:$0xa] =	wrdreg s7  }
0x8: {  	s9 =	simm.s32 $0x4080;
	[dreg:$0xb] =	wrdreg s8  }
0x9: {  	s10 =	simm.s32 $0x4880;
	[dreg:$0xc] =	wrdreg s9  }
0xa: {  	s11 =	simm.s32 $0x5080;
	[dreg:$0xd] =	wrdreg s10  }
0xb: {  	s12 =	simm.s32 $0x5880;
	[dreg:$0xe] =	wrdreg s11  }
0xc: {  	s13 =	simm.s32 $0x6080;
	[dreg:$0xf] =	wrdreg s12  }
0xd: {  	s14 =	simm.s32 $0x6880;
	[dreg:$0x10] =	wrdreg s13  }
0xe: {  	s15 =	simm.s32 $0x7080;
	[dreg:$0x11] =	wrdreg s14  }
0xf: {  	s16 =	simm.s32 $0x7880;
	[dreg:$0x12] =	wrdreg s15  }
0x10: {  	s1 =	srdreg.scid;
	s17 =	simm.s32 $0x8080;
	[dreg:$0x13] =	wrdreg s16  }
0x11: {  	s18 =	simm.s32 $0x8880;
	s19 =	simm.s32 $0x9080;
	[dreg:$0x14] =	wrdreg s17  }
0x12: {  	s21 =	simm.s32 $0x9880;
	s22 =	simm.s32 $0xA080;
	[dreg:$0x15] =	wrdreg s18  }
0x13: {  	s23 =	simm.s32 $0xA880;
	s24 =	simm.s32 $0xB880;
	[dreg:$0x16] =	wrdreg s19  }
0x14: {  	s28 =	simm.s32 $0x16080;
	s29 =	simm.s32 $0x16880;
	[dreg:$0x17] =	wrdreg s21  }
0x15: {  	s30 =	simm.s32 $0x17080;
	s1 =	sand.u32 $0x1, s1;
	[dreg:$0x18] =	wrdreg s22  }
0x16: {  	s31 =	simm.s32 $0x17880;
	s6 =	sshll.u32 s1, $0x4;
	[dreg:$0x19] =	wrdreg s23  }
0x17: {  	s1 =	ssub.s32 $0x2, s1;
	s7 =	simm.s32 $0xB080;
	[dreg:$0x1b] =	wrdreg s24  }
0x18: {  	s25 =	simm.s32 $0xC080;
	s8 =	simm.s32 $0x80;
	s26 =	simm.s32 $0xC880  }
0x19: {  	s10 =	simm.s32 $0xD880;
	s11 =	simm.s32 $0xE080;
	s12 =	simm.s32 $0xE880  }
0x1a: {  	s13 =	simm.s32 $0xF080;
	s14 =	simm.s32 $0xF880;
	s15 =	simm.s32 $0x10080  }
0x1b: {  	s16 =	simm.s32 $0x10880;
	s17 =	simm.s32 $0x11080;
	s18 =	simm.s32 $0x11880  }
0x1c: {  	s19 =	simm.s32 $0x12080;
	s21 =	simm.s32 $0x13080;
	s22 =	simm.s32 $0x13880  }
0x1d: {  	s23 =	simm.s32 $0x14080;
	s24 =	simm.s32 $0x14880;
	s4 =	sor.u32 s6, s4  }
0x1e: {  	s20 =	sshrl.u32 s1, $0x1;
	[dreg:$0x1a] =	wrdreg s7;
	s7 =	simm.s32 $0x2  }
0x1f: {  	[dreg:$0x1c] =	wrdreg s25;
	s6 =	sadd.s32 s4, s5;
	s4 =	smul.u32 $0x300, s4  }
0x20: {  	[dreg:$0x1d] =	wrdreg s26;
	s25 =	simm.s32 $0x15080;
	s6 =	sadd.s32 $0x2400, s6  }
0x21: {  	s26 =	simm.s32 $0x15880;
	[dreg:$0x3] =	wrdreg s6;
	s3 =	sadd.s32 s3, s4  }
0x22: {  	s1 =	ssub.s32 s1, s20;
	s4 =	simm.s32 $0x2080;
	[dreg:$0x4] =	wrdreg s3  }
0x23: {  	v2 =	vlaneseq.u32;
	s20 =	simm.s32 $0x12880;
	s6 =	simm.s32 $0x2880;
	[dreg:$0x8] =	wrdreg s4  }
0x24: {  	vm0 =	vmmov $0xffff;
	v1 =	vshrl.u32 v2, $0x3;
	[dreg:$0x9] =	wrdreg s6;
	s3 =	sadd.s32 $0x2600, s5;
	s4 =	sadd.s32 $0x2700, s5  }
0x25: {  	v0 =	vand.u32 $0x7, v2;
	v2 =	vor.u32 $0x8, v2;
	v1 =	vmul.u32 $0x8, v1;
	s5 =	sadd.s32 $0x2800, s5;
	s6 =	smax.u32 s1, $0x1;
	s1 =	simm.s32 $0x1  }
.LBB2_1:
0x26: {  	s0 =	rddreg [dreg:$0x3]  }
0x27: {  	[tilespmem:s2], [sflag:$0x2] =	stream.linear.gather [hbm4b:s0+s2], $0x80, $0x38;
	[tilespmem:$0x18080] =	vst v63  }
0x28: {  	_ =	swait.ge [sflag:s7], $0x80  }
0x29: {  	[sflag:s7] =	ssyncset.done $0x0  }
0x2a: {  	s9 =	rddreg [dreg:$0x4];
	[sflag:s7] =	ssyncadd.s32 $0xFFFFFF80  }
0x2b: {  	[tilespmem:s8], [sflag:$0x2] =	stream.linear.gather [hbm4b:s9+s2], $0x18000, $0x38;
	[tilespmem:$0x18080] =	vst v63  }
0x2c: {  	_ =	swait.ge [sflag:s7], $0x18000  }
0x2d: {  	[sflag:s7] =	ssyncset.done $0x0  }
0x2e: {  	[sflag:s7] =	ssyncadd.s32 $0xFFFE8000  }
0x2f: {  	v3 =	vld [tilespmem:$0x0];
	_ =	sdelay $0x4  }
0x30: {  	v4 =	vshrl.u32 v3, $0x3  }
0x31: {  	v4 =	vmul.u32 $0x30, v4  }
0x32: {  	v3 =	vand.u32 $0x7, v3  }
0x33: {  	v3 =	vor.u32 v3, v4  }
0x34: {  	v4 =	vperm.xlane v3, v0;
	_ =	sdelay $0x1  }
0x35: {  	v4 =	vadd.s32 v1, v4;
	_ =	sdelay $0x3  }
0x36: {  	v3 =	vperm.xlane v3, v2  }
0x37: {  	[hbm4b:s3+s2] =	stream.indirect_vreg.scatter [tilespmem:s8], [sflag:$0x1], $0x80, v4, vm0, $0xb8;
	[tilespmem:$0x18080] =	vst v63  }
0x38: {  	s0 =	rddreg [dreg:$0x5];
	v3 =	vadd.s32 v1, v3  }
0x39: {  	[hbm4b:s4+s2] =	stream.indirect_vreg.scatter [tilespmem:s0], [sflag:$0x1], $0x80, v4, vm0, $0xb8;
	[tilespmem:$0x18080] =	vst v63  }
0x3a: {  	s9 =	rddreg [dreg:$0x6]  }
0x3b: {  	[hbm4b:s5+s2] =	stream.indirect_vreg.scatter [tilespmem:s9], [sflag:$0x1], $0x80, v4, vm0, $0xb8;
	[tilespmem:$0x18080] =	vst v63  }
0x3c: {  	s0 =	rddreg [dreg:$0x7]  }
0x3d: {  	[hbm4b:s3+s2] =	stream.indirect_vreg.scatter [tilespmem:s0], [sflag:$0x1], $0x80, v3, vm0, $0xb8;
	[tilespmem:$0x18080] =	vst v63  }
0x3e: {  	s9 =	rddreg [dreg:$0x8]  }
0x3f: {  	[hbm4b:s4+s2] =	stream.indirect_vreg.scatter [tilespmem:s9], [sflag:$0x1], $0x80, v3, vm0, $0xb8;
	[tilespmem:$0x18080] =	vst v63  }
0x40: {  	s0 =	rddreg [dreg:$0x9]  }
0x41: {  	[hbm4b:s5+s2] =	stream.indirect_vreg.scatter [tilespmem:s0], [sflag:$0x1], $0x80, v3, vm0, $0xb8;
	[tilespmem:$0x18080] =	vst v63  }
0x42: {  	v3 =	vld [tilespmem:$0x10];
	_ =	sdelay $0x4  }
0x43: {  	v57 =	vshrl.u32 v3, $0x3  }
0x44: {  	v4 =	vmul.u32 $0x30, v57  }
0x45: {  	v3 =	vand.u32 $0x7, v3  }
0x46: {  	v3 =	vor.u32 v3, v4  }
0x47: {  	v4 =	vperm.xlane v3, v0;
	_ =	sdelay $0x1  }
0x48: {  	v4 =	vadd.s32 v1, v4;
	_ =	sdelay $0x3  }
0x49: {  	s0 =	rddreg [dreg:$0xa];
	v3 =	vperm.xlane v3, v2  }
0x4a: {  	[hbm4b:s3+s2] =	stream.indirect_vreg.scatter [tilespmem:s0], [sflag:$0x1], $0x80, v4, vm0, $0xb8;
	[tilespmem:$0x18080] =	vst v63  }
0x4b: {  	s9 =	rddreg [dreg:$0xb];
	v3 =	vadd.s32 v1, v3  }
0x4c: {  	[hbm4b:s4+s2] =	stream.indirect_vreg.scatter [tilespmem:s9], [sflag:$0x1], $0x80, v4, vm0, $0xb8;
	[tilespmem:$0x18080] =	vst v63  }
0x4d: {  	s0 =	rddreg [dreg:$0xc]  }
0x4e: {  	[hbm4b:s5+s2] =	stream.indirect_vreg.scatter [tilespmem:s0], [sflag:$0x1], $0x80, v4, vm0, $0xb8;
	[tilespmem:$0x18080] =	vst v63  }
0x4f: {  	s9 =	rddreg [dreg:$0xd]  }
0x50: {  	[hbm4b:s3+s2] =	stream.indirect_vreg.scatter [tilespmem:s9], [sflag:$0x1], $0x80, v3, vm0, $0xb8;
	[tilespmem:$0x18080] =	vst v63  }
0x51: {  	s0 =	rddreg [dreg:$0xe]  }
0x52: {  	[hbm4b:s4+s2] =	stream.indirect_vreg.scatter [tilespmem:s0], [sflag:$0x1], $0x80, v3, vm0, $0xb8;
	[tilespmem:$0x18080] =	vst v63  }
0x53: {  	s9 =	rddreg [dreg:$0xf]  }
0x54: {  	[hbm4b:s5+s2] =	stream.indirect_vreg.scatter [tilespmem:s9], [sflag:$0x1], $0x80, v3, vm0, $0xb8;
	[tilespmem:$0x18080] =	vst v63  }
0x55: {  	v3 =	vld [tilespmem:$0x20];
	_ =	sdelay $0x4  }
0x56: {  	v58 =	vshrl.u32 v3, $0x3  }
0x57: {  	v4 =	vmul.u32 $0x30, v58  }
0x58: {  	v3 =	vand.u32 $0x7, v3  }
0x59: {  	v3 =	vor.u32 v3, v4  }
0x5a: {  	v4 =	vperm.xlane v3, v0;
	_ =	sdelay $0x1  }
0x5b: {  	v4 =	vadd.s32 v1, v4;
	_ =	sdelay $0x3  }
0x5c: {  	s0 =	rddreg [dreg:$0x10];
	v3 =	vperm.xlane v3, v2  }
0x5d: {  	[hbm4b:s3+s2] =	stream.indirect_vreg.scatter [tilespmem:s0], [sflag:$0x1], $0x80, v4, vm0, $0xb8;
	[tilespmem:$0x18080] =	vst v63  }
0x5e: {  	s9 =	rddreg [dreg:$0x11];
	v3 =	vadd.s32 v1, v3  }
0x5f: {  	[hbm4b:s4+s2] =	stream.indirect_vreg.scatter [tilespmem:s9], [sflag:$0x1], $0x80, v4, vm0, $0xb8;
	[tilespmem:$0x18080] =	vst v63  }
0x60: {  	s0 =	rddreg [dreg:$0x12]  }
0x61: {  	[hbm4b:s5+s2] =	stream.indirect_vreg.scatter [tilespmem:s0], [sflag:$0x1], $0x80, v4, vm0, $0xb8;
	[tilespmem:$0x18080] =	vst v63  }
0x62: {  	s9 =	rddreg [dreg:$0x13]  }
0x63: {  	[hbm4b:s3+s2] =	stream.indirect_vreg.scatter [tilespmem:s9], [sflag:$0x1], $0x80, v3, vm0, $0xb8;
	[tilespmem:$0x18080] =	vst v63  }
0x64: {  	s0 =	rddreg [dreg:$0x14]  }
0x65: {  	[hbm4b:s4+s2] =	stream.indirect_vreg.scatter [tilespmem:s0], [sflag:$0x1], $0x80, v3, vm0, $0xb8;
	[tilespmem:$0x18080] =	vst v63  }
0x66: {  	s9 =	rddreg [dreg:$0x15]  }
0x67: {  	[hbm4b:s5+s2] =	stream.indirect_vreg.scatter [tilespmem:s9], [sflag:$0x1], $0x80, v3, vm0, $0xb8;
	[tilespmem:$0x18080] =	vst v63  }
0x68: {  	v3 =	vld [tilespmem:$0x30];
	_ =	sdelay $0x4  }
0x69: {  	v59 =	vshrl.u32 v3, $0x3  }
0x6a: {  	v4 =	vmul.u32 $0x30, v59  }
0x6b: {  	v3 =	vand.u32 $0x7, v3  }
0x6c: {  	v3 =	vor.u32 v3, v4  }
0x6d: {  	v4 =	vperm.xlane v3, v0;
	_ =	sdelay $0x1  }
0x6e: {  	v4 =	vadd.s32 v1, v4;
	_ =	sdelay $0x3  }
0x6f: {  	s0 =	rddreg [dreg:$0x16];
	v3 =	vperm.xlane v3, v2  }
0x70: {  	[hbm4b:s3+s2] =	stream.indirect_vreg.scatter [tilespmem:s0], [sflag:$0x1], $0x80, v4, vm0, $0xb8;
	[tilespmem:$0x18080] =	vst v63  }
0x71: {  	s9 =	rddreg [dreg:$0x17];
	v3 =	vadd.s32 v1, v3  }
0x72: {  	[hbm4b:s4+s2] =	stream.indirect_vreg.scatter [tilespmem:s9], [sflag:$0x1], $0x80, v4, vm0, $0xb8;
	[tilespmem:$0x18080] =	vst v63  }
0x73: {  	s0 =	rddreg [dreg:$0x18]  }
0x74: {  	[hbm4b:s5+s2] =	stream.indirect_vreg.scatter [tilespmem:s0], [sflag:$0x1], $0x80, v4, vm0, $0xb8;
	[tilespmem:$0x18080] =	vst v63  }
0x75: {  	s9 =	rddreg [dreg:$0x19]  }
0x76: {  	[hbm4b:s3+s2] =	stream.indirect_vreg.scatter [tilespmem:s9], [sflag:$0x1], $0x80, v3, vm0, $0xb8;
	[tilespmem:$0x18080] =	vst v63  }
0x77: {  	s0 =	rddreg [dreg:$0x1a]  }
0x78: {  	[hbm4b:s4+s2] =	stream.indirect_vreg.scatter [tilespmem:s0], [sflag:$0x1], $0x80, v3, vm0, $0xb8;
	[tilespmem:$0x18080] =	vst v63  }
0x79: {  	s9 =	rddreg [dreg:$0x1b]  }
0x7a: {  	[hbm4b:s5+s2] =	stream.indirect_vreg.scatter [tilespmem:s9], [sflag:$0x1], $0x80, v3, vm0, $0xb8;
	[tilespmem:$0x18080] =	vst v63  }
0x7b: {  	v3 =	vld [tilespmem:$0x40];
	_ =	sdelay $0x4  }
0x7c: {  	v60 =	vshrl.u32 v3, $0x3  }
0x7d: {  	v4 =	vmul.u32 $0x30, v60  }
0x7e: {  	v3 =	vand.u32 $0x7, v3  }
0x7f: {  	v3 =	vor.u32 v3, v4  }
0x80: {  	v4 =	vperm.xlane v3, v0;
	_ =	sdelay $0x1  }
0x81: {  	v4 =	vadd.s32 v1, v4;
	_ =	sdelay $0x3  }
0x82: {  	s0 =	rddreg [dreg:$0x1c];
	v3 =	vperm.xlane v3, v2  }
0x83: {  	[hbm4b:s3+s2] =	stream.indirect_vreg.scatter [tilespmem:s0], [sflag:$0x1], $0x80, v4, vm0, $0xb8;
	[tilespmem:$0x18080] =	vst v63  }
0x84: {  	s9 =	rddreg [dreg:$0x1d];
	v3 =	vadd.s32 v1, v3  }
0x85: {  	[hbm4b:s4+s2] =	stream.indirect_vreg.scatter [tilespmem:s9], [sflag:$0x1], $0x80, v4, vm0, $0xb8;
	[tilespmem:$0x18080] =	vst v63  }
0x86: {  	s9 =	simm.s32 $0xD080  }
0x87: {  	[hbm4b:s5+s2] =	stream.indirect_vreg.scatter [tilespmem:s9], [sflag:$0x1], $0x80, v4, vm0, $0xb8;
	[tilespmem:$0x18080] =	vst v63  }
0x88: {  	_ = 	snop  }
0x89: {  	[hbm4b:s3+s2] =	stream.indirect_vreg.scatter [tilespmem:s10], [sflag:$0x1], $0x80, v3, vm0, $0xb8;
	[tilespmem:$0x18080] =	vst v63  }
0x8a: {  	_ = 	snop  }
0x8b: {  	[hbm4b:s4+s2] =	stream.indirect_vreg.scatter [tilespmem:s11], [sflag:$0x1], $0x80, v3, vm0, $0xb8;
	[tilespmem:$0x18080] =	vst v63  }
0x8c: {  	_ = 	snop  }
0x8d: {  	[hbm4b:s5+s2] =	stream.indirect_vreg.scatter [tilespmem:s12], [sflag:$0x1], $0x80, v3, vm0, $0xb8;
	[tilespmem:$0x18080] =	vst v63  }
0x8e: {  	v3 =	vld [tilespmem:$0x50];
	_ =	sdelay $0x4  }
0x8f: {  	v61 =	vshrl.u32 v3, $0x3  }
0x90: {  	v4 =	vmul.u32 $0x30, v61  }
0x91: {  	v3 =	vand.u32 $0x7, v3  }
0x92: {  	v3 =	vor.u32 v3, v4  }
0x93: {  	v4 =	vperm.xlane v3, v0;
	_ =	sdelay $0x1  }
0x94: {  	v4 =	vadd.s32 v1, v4;
	_ =	sdelay $0x3  }
0x95: {  	v3 =	vperm.xlane v3, v2  }
0x96: {  	[hbm4b:s3+s2] =	stream.indirect_vreg.scatter [tilespmem:s13], [sflag:$0x1], $0x80, v4, vm0, $0xb8;
	[tilespmem:$0x18080] =	vst v63  }
0x97: {  	v3 =	vadd.s32 v1, v3  }
0x98: {  	[hbm4b:s4+s2] =	stream.indirect_vreg.scatter [tilespmem:s14], [sflag:$0x1], $0x80, v4, vm0, $0xb8;
	[tilespmem:$0x18080] =	vst v63  }
0x99: {  	_ = 	snop  }
0x9a: {  	[hbm4b:s5+s2] =	stream.indirect_vreg.scatter [tilespmem:s15], [sflag:$0x1], $0x80, v4, vm0, $0xb8;
	[tilespmem:$0x18080] =	vst v63  }
0x9b: {  	_ = 	snop  }
0x9c: {  	[hbm4b:s3+s2] =	stream.indirect_vreg.scatter [tilespmem:s16], [sflag:$0x1], $0x80, v3, vm0, $0xb8;
	[tilespmem:$0x18080] =	vst v63  }
0x9d: {  	_ = 	snop  }
0x9e: {  	[hbm4b:s4+s2] =	stream.indirect_vreg.scatter [tilespmem:s17], [sflag:$0x1], $0x80, v3, vm0, $0xb8;
	[tilespmem:$0x18080] =	vst v63  }
0x9f: {  	_ = 	snop  }
0xa0: {  	[hbm4b:s5+s2] =	stream.indirect_vreg.scatter [tilespmem:s18], [sflag:$0x1], $0x80, v3, vm0, $0xb8;
	[tilespmem:$0x18080] =	vst v63  }
0xa1: {  	v3 =	vld [tilespmem:$0x60];
	_ =	sdelay $0x4  }
0xa2: {  	v62 =	vshrl.u32 v3, $0x3  }
0xa3: {  	v4 =	vmul.u32 $0x30, v62  }
0xa4: {  	v3 =	vand.u32 $0x7, v3  }
0xa5: {  	v3 =	vor.u32 v3, v4  }
0xa6: {  	v4 =	vperm.xlane v3, v0;
	_ =	sdelay $0x1  }
0xa7: {  	v4 =	vadd.s32 v1, v4;
	_ =	sdelay $0x3  }
0xa8: {  	v3 =	vperm.xlane v3, v2  }
0xa9: {  	[hbm4b:s3+s2] =	stream.indirect_vreg.scatter [tilespmem:s19], [sflag:$0x1], $0x80, v4, vm0, $0xb8;
	[tilespmem:$0x18080] =	vst v63  }
0xaa: {  	v3 =	vadd.s32 v1, v3  }
0xab: {  	[hbm4b:s4+s2] =	stream.indirect_vreg.scatter [tilespmem:s20], [sflag:$0x1], $0x80, v4, vm0, $0xb8;
	[tilespmem:$0x18080] =	vst v63  }
0xac: {  	_ = 	snop  }
0xad: {  	[hbm4b:s5+s2] =	stream.indirect_vreg.scatter [tilespmem:s21], [sflag:$0x1], $0x80, v4, vm0, $0xb8;
	[tilespmem:$0x18080] =	vst v63  }
0xae: {  	_ = 	snop  }
0xaf: {  	[hbm4b:s3+s2] =	stream.indirect_vreg.scatter [tilespmem:s22], [sflag:$0x1], $0x80, v3, vm0, $0xb8;
	[tilespmem:$0x18080] =	vst v63  }
0xb0: {  	_ = 	snop  }
0xb1: {  	[hbm4b:s4+s2] =	stream.indirect_vreg.scatter [tilespmem:s23], [sflag:$0x1], $0x80, v3, vm0, $0xb8;
	[tilespmem:$0x18080] =	vst v63  }
0xb2: {  	_ = 	snop  }
0xb3: {  	[hbm4b:s5+s2] =	stream.indirect_vreg.scatter [tilespmem:s24], [sflag:$0x1], $0x80, v3, vm0, $0xb8;
	[tilespmem:$0x18080] =	vst v63  }
0xb4: {  	v3 =	vld [tilespmem:$0x70];
	_ =	sdelay $0x4  }
0xb5: {  	v63 =	vshrl.u32 v3, $0x3  }
0xb6: {  	v4 =	vmul.u32 $0x30, v63  }
0xb7: {  	v3 =	vand.u32 $0x7, v3  }
0xb8: {  	v3 =	vor.u32 v3, v4  }
0xb9: {  	v4 =	vperm.xlane v3, v0;
	_ =	sdelay $0x1  }
0xba: {  	v4 =	vadd.s32 v1, v4;
	_ =	sdelay $0x3  }
0xbb: {  	v3 =	vperm.xlane v3, v2  }
0xbc: {  	[hbm4b:s3+s2] =	stream.indirect_vreg.scatter [tilespmem:s25], [sflag:$0x1], $0x80, v4, vm0, $0xb8;
	[tilespmem:$0x18080] =	vst v63  }
0xbd: {  	v3 =	vadd.s32 v1, v3  }
0xbe: {  	[hbm4b:s4+s2] =	stream.indirect_vreg.scatter [tilespmem:s26], [sflag:$0x1], $0x80, v4, vm0, $0xb8;
	[tilespmem:$0x18080] =	vst v63  }
0xbf: {  	_ = 	snop  }
0xc0: {  	[hbm4b:s5+s2] =	stream.indirect_vreg.scatter [tilespmem:s28], [sflag:$0x1], $0x80, v4, vm0, $0xb8;
	[tilespmem:$0x18080] =	vst v63  }
0xc1: {  	_ = 	snop  }
0xc2: {  	[hbm4b:s3+s2] =	stream.indirect_vreg.scatter [tilespmem:s29], [sflag:$0x1], $0x80, v3, vm0, $0xb8;
	[tilespmem:$0x18080] =	vst v63  }
0xc3: {  	p0 =	sne.s32 s6, $0x1  }
0xc4: {  	[hbm4b:s4+s2] =	stream.indirect_vreg.scatter [tilespmem:s30], [sflag:$0x1], $0x80, v3, vm0, $0xb8;
	[tilespmem:$0x18080] =	vst v63  }
.Ltmp0:
0xc5: {  	_ = 	snop;
	(pc) =	sbr.rel @p0 .LBB2_1-.Ltmp0, $4  }
0xc6: {  	[hbm4b:s5+s2] =	stream.indirect_vreg.scatter [tilespmem:s31], [sflag:$0x1], $0x80, v3, vm0, $0xb8;
	[tilespmem:$0x18080] =	vst v63  }
0xc7: {  	_ =	swait.ge [sflag:s1], $0x18000  }
0xc8: {  	[sflag:s1] =	ssyncset.done $0x0  }
0xc9: {  	s6 =	sadd.s32 $0xFFFFFFFF, s6;
	[sflag:s1] =	ssyncadd.s32 $0xFFFE8000  }
0xca: {  	_ =	sfence.sel $0x180000  }
0xcb: {  	[bflag:$0x0] =	sbarrier.arrive $0xFFFF  }
0xcc: {  	_ =	strace $0x90000047  }
0xcd: {  	s0 =	stileid.u32;
	[bflag:$0x2] =	sbarrier.arrive $0xFFFF  }
0xce: {  	p0 =	sne.s32 s0, $0x0;
	s0 =	rddreg [dreg:$0x2]  }
0xcf: {  	s0 =	sadd.s32 @!p0 $0x100000, s0  }
0xd0: {  	[sflag:s0] =	ssyncadd.tile.s32 @!p0 $0x1;
	_ =	shalt  }
.Lfunc_end2:
_tile_overlayer_lowered:
.L_overlay_start_2:
0xd1: {  	(tag) =	ssettag $0x2  }
0xd2: {  	s0 =	rddreg [dreg:$0x0];
	s2 =	stileid.u32  }
0xd3: {  	s1 =	rddreg [dreg:$0x1];
	p0 =	sne.s32 s2, $0x0  }
0xd4: {  	s3 =	rddreg [dreg:$0x2];
	[bflag:$0x3] =	sbarrier.arrive $0xFFFF;
	s2 =	simm.s32 @!p0 $0x1C02  }
0xd5: {  	[timem:s3], [sflag:s2] =	dma.local @!p0 [hbm:s0], s1  }
0xd6: {  	s0 =	simm.s32 @!p0 $0x2  }
0xd7: {  	_ =	swait.ge @!p0 [sflag:s0], s1  }
0xd8: {  	s1 =	ssub.s32 @!p0 $0x0, s1;
	[sflag:s0] =	ssyncset.done @!p0 $0x0  }
0xd9: {  	[sflag:s0] =	ssyncadd.s32 @!p0 s1  }
0xda: {  	[bflag:$0x3] =	sbarrier.arrive $0xFFFF  }
0xdb: {  	_ =	shalt  }

// kernel: kernel.9.cloned.1.call-start
scs
__scs_entry_jumppad:
0x0: {  	(pc) =	sbr.rel $0x88, $3  }
0x1: {  	(tag) =	ssettag $0x0;
	lr =	simm.s32 $0x1  }
0x2: {  	[smem:$0x3F9C] =	sst lr;
	_ =	strace $0xD0000000  }
0x3: {  	_ = 	snop  }
0x4: {  	_ = 	snop  }
0x5: {  	_ = 	snop  }
0x6: {  	_ = 	snop  }
0x7: {  	_ = 	snop  }
__scs_overlays_trampoline_lowered:
0x8: {  	[smem:$0x3FAB] =	sst s0  }
0x9: {  	[smem:$0x3FAC] =	sst s1  }
0xa: {  	[smem:$0x3FAD] =	sst s2  }
0xb: {  	[smem:$0x3FAE] =	sst s3  }
0xc: {  	[smem:$0x3FAF] =	sst s4  }
0xd: {  	[smem:$0x3FB0] =	sst s5  }
0xe: {  	[smem:$0x3FB1] =	sst s6  }
0xf: {  	[smem:$0x3FB2] =	sst s7  }
0x10: {  	[smem:$0x3FB3] =	sst s8  }
0x11: {  	[smem:$0x3FB4] =	sst s9;
	s0 =	simm.s32 @!p0 $0x0  }
0x12: {  	s1 =	sld [smem:$0x3F9A];
	s0 =	simm.s32 @p0 $0x1  }
0x13: {  	[smem:$0x3FB5] =	sst s0;
	s0 =	simm.s32 @!p1 $0x0  }
0x14: {  	s2 =	sld [smem:$0x3F99];
	s0 =	simm.s32 @p1 $0x1  }
0x15: {  	[smem:$0x3FB6] =	sst s0;
	s0 =	simm.s32 @!p2 $0x0  }
0x16: {  	s3 =	sld [smem:$0x3FDB];
	s0 =	simm.s32 @p2 $0x1  }
0x17: {  	s4 =	simm.s32 $0x1BF5;
	[smem:$0x3FB8] =	sst s0  }
0x18: {  	s0 =	sld [smem:$0x3F9B];
	_ =	swait.ge [sflag:s4], $0x0  }
0x19: {  	s7 =	sld [smem:$0x3F9C]  }
0x1a: {  	s8 =	sadd.s32 $0xFFFFE003, lr  }
0x1b: {  	s9 =	sadd.s32 $0xFFFFFEF7, lr;
	s5 =	simm.s32 $0xFFFFFFFF;
	p2 =	slt.u32 s8, $0xFFFFF086  }
0x1c: {  	p1 =	slt.u32 s9, $0xF7A;
	s5 =	simm.s32 @!p2 $0x0  }
0x1d: {  	s5 =	simm.s32 @p1 $0x1;
	p0 =	seq.s32 s7, s2  }
0x1e: {  	s7 =	smul.u32 @!p0 $0xF7A, s2;
	p2 =	seq.s32 @!p0 s5, $0x0  }
0x1f: {  	s9 =	smul.u32 $0xF7A, s1;
	s8 =	simm.s32 @!p0 $0x1BF5;
	p2 =	por !p2, p0  }
0x20: {  	[sflag:s8] =	ssyncset.s32 @!p0 $0xFFFFF086;
	s6 =	sadd.s32 @!p0 s3, s7;
	s7 =	simm.s32 @!p0 $0x108  }
0x21: {  	s3 =	sadd.s32 s3, s9;
	s6 =	sadd.s32 @!p0 $0x88, s6;
	s7 =	simm.s32 @p2 $0x1082  }
0x22: {  	[simem:s7], [sflag:s8] =	dma.local @!p0 [hbm:s6], $0xF7A  }
0x23: {  	s9 =	sor.u32 $0xD0000000, s2;
	s6 =	simm.s32 $0x108;
	_ =	swait.ge @!p0 [sflag:s8], $0x0  }
0x24: {  	s3 =	sadd.s32 $0x88, s3;
	s6 =	simm.s32 @!p1 $0x1082;
	[sflag:s4] =	ssyncset.s32 $0xFFFFF086  }
0x25: {  	[simem:s6], [sflag:s4] =	dma.local [hbm:s3], $0xF7A  }
0x26: {  	[smem:$0x3F9C] =	sst s1;
	(tag) =	ssettag s2;
	_ =	strace s9  }
0x27: {  	s1 =	sld [smem:$0x3FAC]  }
0x28: {  	s2 =	sld [smem:$0x3FAD]  }
0x29: {  	s4 =	sld [smem:$0x3FAF]  }
0x2a: {  	p0 =	seq.s32 s5, $0x0;
	s5 =	sld [smem:$0x3FB0]  }
0x2b: {  	s6 =	sld [smem:$0x3FB1]  }
0x2c: {  	s7 =	sld [smem:$0x3FB2]  }
0x2d: {  	s3 =	simm.s32 $0x108;
	s8 =	sld [smem:$0x3FB3]  }
0x2e: {  	s3 =	simm.s32 @!p0 $0x1082;
	s9 =	sld [smem:$0x3FB4]  }
0x2f: {  	lr =	sadd.s32 s0, s3;
	s0 =	sld [smem:$0x3FAB]  }
0x30: {  	s3 =	sld [smem:$0x3FAE]  }
0x31: {  	[smem:$0x3FB7] =	sst s10  }
0x32: {  	s10 =	sld [smem:$0x3FB5];
	_ =	sdelay $0x3  }
0x33: {  	p0 =	seq.s32 s10, $0x1;
	s10 =	sld [smem:$0x3FB7];
	_ =	sdelay $0x3  }
0x34: {  	[smem:$0x3FB7] =	sst s10  }
0x35: {  	s10 =	sld [smem:$0x3FB6];
	_ =	sdelay $0x3  }
0x36: {  	p1 =	seq.s32 s10, $0x1;
	s10 =	sld [smem:$0x3FB7];
	_ =	sdelay $0x3  }
0x37: {  	[smem:$0x3FB7] =	sst s10  }
0x38: {  	s10 =	sld [smem:$0x3FB8]  }
0x39: {  	_ = 	snop;
	(pc) =	sbr.ind lr, $3  }
0x3a: {  	_ = 	snop  }
0x3b: {  	_ = 	snop  }
0x3c: {  	p2 =	seq.s32 s10, $0x1;
	s10 =	sld [smem:$0x3FB7]  }
0x3d: {  	_ =	shalt  }
0x3e: {  	_ =	shalt  }
0x3f: {  	_ =	shalt  }
0x40: {  	_ =	shalt  }
0x41: {  	_ =	shalt  }
0x42: {  	_ =	shalt  }
0x43: {  	_ =	shalt  }
0x44: {  	_ =	shalt  }
0x45: {  	_ =	shalt  }
0x46: {  	_ =	shalt  }
0x47: {  	_ =	shalt  }
0x48: {  	_ =	shalt  }
0x49: {  	_ =	shalt  }
0x4a: {  	_ =	shalt  }
0x4b: {  	_ =	shalt  }
0x4c: {  	_ =	shalt  }
0x4d: {  	_ =	shalt  }
0x4e: {  	_ =	shalt  }
0x4f: {  	_ =	shalt  }
0x50: {  	_ =	shalt  }
0x51: {  	_ =	shalt  }
0x52: {  	_ =	shalt  }
0x53: {  	_ =	shalt  }
0x54: {  	_ =	shalt  }
0x55: {  	_ =	shalt  }
0x56: {  	_ =	shalt  }
0x57: {  	_ =	shalt  }
0x58: {  	_ =	shalt  }
0x59: {  	_ =	shalt  }
0x5a: {  	_ =	shalt  }
0x5b: {  	_ =	shalt  }
0x5c: {  	_ =	shalt  }
0x5d: {  	_ =	shalt  }
0x5e: {  	_ =	shalt  }
0x5f: {  	_ =	shalt  }
0x60: {  	_ =	shalt  }
0x61: {  	_ =	shalt  }
0x62: {  	_ =	shalt  }
0x63: {  	_ =	shalt  }
0x64: {  	_ =	shalt  }
0x65: {  	_ =	shalt  }
0x66: {  	_ =	shalt  }
0x67: {  	_ =	shalt  }
0x68: {  	_ =	shalt  }
0x69: {  	_ =	shalt  }
0x6a: {  	_ =	shalt  }
0x6b: {  	_ =	shalt  }
0x6c: {  	_ =	shalt  }
0x6d: {  	_ =	shalt  }
0x6e: {  	_ =	shalt  }
0x6f: {  	_ =	shalt  }
0x70: {  	_ =	shalt  }
0x71: {  	_ =	shalt  }
0x72: {  	_ =	shalt  }
0x73: {  	_ =	shalt  }
0x74: {  	_ =	shalt  }
0x75: {  	_ =	shalt  }
0x76: {  	_ =	shalt  }
0x77: {  	_ =	shalt  }
0x78: {  	_ =	shalt  }
0x79: {  	_ =	shalt  }
0x7a: {  	_ =	shalt  }
0x7b: {  	_ =	shalt  }
0x7c: {  	_ =	shalt  }
0x7d: {  	_ =	shalt  }
0x7e: {  	_ =	shalt  }
0x7f: {  	_ =	shalt  }
0x80: {  	_ =	shalt  }
0x81: {  	_ =	shalt  }
0x82: {  	_ =	shalt  }
0x83: {  	_ =	shalt  }
0x84: {  	_ =	shalt  }
0x85: {  	_ =	shalt  }
0x86: {  	_ =	shalt  }
0x87: {  	_ =	shalt  }
.Lfunc_end0:
.L_simem_size_0:
called_computation.1_lowered:
.L_overlay_start_0:
0x88: {  	s2 =	sld [smem:$0x3FD9]  }
0x89: {  	s3 =	sld [smem:$0x3FFE];
	_ =	sdelay $0x1  }
0x8a: {  	s1 =	srdreg.scid  }
0x8b: {  	s0 =	sand.u32 $0x1, s1  }
0x8c: {  	s17 =	sshll.u32 s0, $0xA;
	s2 =	sadd.s32 s3, s2  }
0x8d: {  	s2 =	sadd.s32 s2, s17  }
0x8e: {  	[smem:$0x3FC3] =	sst s2  }
0x8f: {  	_ = 	snop  }
0x90: {  	s2 =	sld [smem:$0x3FD0];
	(tm) =	ssettm $0x1  }
0x91: {  	s18 =	sld [smem:$0x3FFB];
	_ =	sdelay $0x3  }
0x92: {  	_ =	strace s18  }
0x93: {  	s3 =	sld [smem:$0x3FFC];
	_ =	sdelay $0x3  }
0x94: {  	_ =	strace s3  }
0x95: {  	s3 =	sld [smem:$0x3FFD];
	_ =	sdelay $0x3  }
0x96: {  	_ =	strace s3  }
0x97: {  	_ =	strace $0x8FFFFFFF  }
0x98: {  	s19 =	sld [smem:$0x3FDB];
	_ =	sdelay $0x1  }
0x99: {  	s4 =	simm.s32 $_scs_section_size  }
0x9a: {  	s5 =	simm.s32 $_size__tile_overlayer_lowered;
	s6 =	simm.s32 $_tile_overlayer_lowered  }
0x9b: {  	s22 =	simm.s32 $0x1BFF;
	s21 =	sshll.u32 s6, $0x1;
	s3 =	sadd.s32 s4, s19  }
0x9c: {  	s7 =	simm.s32 $0x0;
	s20 =	sshll.u32 s5, $0x1;
	s5 =	sadd.s32 s21, s3  }
0x9d: {  	[timem:s7], [sflag:s22] =	dma.local [hbm:s5], s20  }
0x9e: {  	_ =	swait.ge [sflag:s22], s20  }
0x9f: {  	s4 =	ssub.s32 $0x0, s20;
	[sflag:s22] =	ssyncset.done $0x0  }
0xa0: {  	[sflag:s22] =	ssyncadd.s32 s4;
	_ =	sdelay $0x1  }
0xa1: {  	s23 =	simm.s32 $0x1B8B  }
0xa2: {  	_ =	swait.ge [sflag:s23], $0x1  }
0xa3: {  	[sflag:s23] =	ssyncset.done $0x0  }
0xa4: {  	s25 =	simm.s32 $0x1B8E;
	s24 =	sld [smem:$0x3FFE];
	[sflag:s23] =	ssyncadd.s32 $0xFFFFFFFF  }
0xa5: {  	s26 =	simm.s32 $execute0_lowered;
	[smem:$0x3FD2] =	sst s25  }
0xa6: {  	s5 =	sshll.u32 s26, $0x1;
	_ =	strace $0x80000049;
	[dreg:$0x1] =	wrdreg $0xFFFFFFFF  }
0xa7: {  	s28 =	simm.s32 $_size_execute0_lowered;
	s3 =	sadd.s32 s3, s5;
	[dreg:$0x0] =	wrdreg $0x0  }
0xa8: {  	s5 =	sshll.u32 s28, $0x1;
	[dreg:$0x2] =	wrdreg s3  }
0xa9: {  	[dreg:$0x3] =	wrdreg s5  }
0xaa: {  	[dreg:$0x4] =	wrdreg $0xC0  }
0xab: {  	_ =	task [dreg:s7], $0x5FFFF  }
0xac: {  	[dreg:$0x1] =	wrdreg $0xFFFFFFFF  }
0xad: {  	[dreg:$0x0] =	wrdreg $0x60  }
0xae: {  	[dreg:$0x2] =	wrdreg s24  }
0xaf: {  	[dreg:$0x3] =	wrdreg s2  }
0xb0: {  	[dreg:$0x4] =	wrdreg $0x9  }
0xb1: {  	_ =	task.clear_ibuf [dreg:s7], $0x5FFFF;
	_ =	strace $0x90000049  }
0xb2: {  	s29 =	simm.s32 $0x9;
	_ =	strace $0x8000004B  }
0xb3: {  	_ =	swait.ge [sflag:s29], $0x1  }
0xb4: {  	[sflag:s29] =	ssyncadd.s32 $0xFFFFFFFF  }
0xb5: {  	_ =	strace $0x9000004B  }
0xb6: {  	_ =	sfence  }
0xb7: {  	s30 =	sld [smem:$0x0];
	_ =	sdelay $0x2  }
0xb8: {  	s31 =	sshll.u32 s1, $0xD;
	s1 =	sshrl.u32 s1, $0x2  }
0xb9: {  	s3 =	sand.u32 $0x4000, s31;
	s1 =	sadd.s32 s1, s30  }
0xba: {  	s0 =	sor.u32 s3, s0;
	s1 =	sshll.u32 s1, $0x11  }
0xbb: {  	s0 =	sor.u32 s1, s0  }
0xbc: {  	s0 =	sadd.s32 $0x8F2B, s0  }
0xbd: {  	[sflag:s0] =	ssyncadd.remote.s32 $0x1  }
0xbe: {  	_ =	sfence.sel $0xFFFF  }
0xbf: {  	[dreg:$0x0] =	wrdreg $0xFFFFFFFF;
	(pc) =	sbr.abs _section_cstart, $3  }
0xc0: {  	[dreg:$0x1] =	wrdreg $0xFFFFFFFF  }
0xc1: {  	_ =	task.clear_ibuf [dreg:s7], $0x2FFFF;
	_ =	strace $0x9FFFFFFF  }
0xc2: {  	(tm) =	ssettm $0x7FFFFFFF  }
0xc3: {  	_ =	shalt  }
tec
execute0_lowered:
.L_overlay_start_1:
0x0: {  	(tag) =	ssettag $0x1  }
0x1: {  	s2 =	srdreg.scid;
	s1 =	rddreg [dreg:$0x0]  }
0x2: {  	s3 =	rddreg [dreg:$0x1];
	s4 =	sand.u32 $0x1, s2;
	s2 =	simm.s32 $0x0  }
0x3: {  	s0 =	stileid.u32;
	s25 =	simm.s32 $0x880;
	[smem:$0x7FF] =	sst s2  }
0x4: {  	s26 =	simm.s32 $0x1080;
	_ =	strace $0x8000004A;
	[dreg:$0x5] =	wrdreg s25  }
0x5: {  	s5 =	sshll.u32 s0, $0x5;
	s0 =	simm.s32 $0x1880;
	[dreg:$0x6] =	wrdreg s26  }
0x6: {  	s7 =	simm.s32 $0x3080;
	[dreg:$0x7] =	wrdreg s0  }
0x7: {  	s8 =	simm.s32 $0x3880;
	[dreg:$0xa] =	wrdreg s7  }
0x8: {  	s9 =	simm.s32 $0x4080;
	[dreg:$0xb] =	wrdreg s8  }
0x9: {  	s10 =	simm.s32 $0x4880;
	[dreg:$0xc] =	wrdreg s9  }
0xa: {  	s11 =	simm.s32 $0x5080;
	[dreg:$0xd] =	wrdreg s10  }
0xb: {  	s12 =	simm.s32 $0x5880;
	[dreg:$0xe] =	wrdreg s11  }
0xc: {  	s13 =	simm.s32 $0x6080;
	[dreg:$0xf] =	wrdreg s12  }
0xd: {  	s14 =	simm.s32 $0x6880;
	[dreg:$0x10] =	wrdreg s13  }
0xe: {  	s15 =	simm.s32 $0x7080;
	[dreg:$0x11] =	wrdreg s14  }
0xf: {  	s16 =	simm.s32 $0x7880;
	s17 =	simm.s32 $0x8080;
	[dreg:$0x12] =	wrdreg s15  }
0x10: {  	s18 =	simm.s32 $0x8880;
	s19 =	simm.s32 $0x9080;
	[dreg:$0x13] =	wrdreg s16  }
0x11: {  	s21 =	simm.s32 $0x9880;
	s22 =	simm.s32 $0xA080;
	[dreg:$0x14] =	wrdreg s17  }
0x12: {  	s23 =	simm.s32 $0xB080;
	s24 =	simm.s32 $0xB880;
	[dreg:$0x15] =	wrdreg s18  }
0x13: {  	s28 =	simm.s32 $0x16080;
	s29 =	simm.s32 $0x16880;
	[dreg:$0x16] =	wrdreg s19  }
0x14: {  	s30 =	simm.s32 $0x17080;
	s31 =	simm.s32 $0x17880;
	[dreg:$0x17] =	wrdreg s21  }
0x15: {  	s6 =	sshll.u32 s4, $0x4;
	s4 =	ssub.s32 $0x2, s4;
	[dreg:$0x18] =	wrdreg s22  }
0x16: {  	s5 =	sor.u32 s6, s5;
	s20 =	sshrl.u32 s4, $0x1;
	[dreg:$0x1a] =	wrdreg s23  }
0x17: {  	s7 =	simm.s32 $0xA880;
	[dreg:$0x1b] =	wrdreg s24;
	s25 =	simm.s32 $0xC080  }
0x18: {  	s8 =	simm.s32 $0x80;
	s26 =	simm.s32 $0xC880;
	s10 =	simm.s32 $0xD880  }
0x19: {  	s11 =	simm.s32 $0xE080;
	s12 =	simm.s32 $0xE880;
	s13 =	simm.s32 $0xF080  }
0x1a: {  	s14 =	simm.s32 $0xF880;
	s15 =	simm.s32 $0x10080;
	s16 =	simm.s32 $0x10880  }
0x1b: {  	s17 =	simm.s32 $0x11080;
	s18 =	simm.s32 $0x11880;
	s19 =	simm.s32 $0x12080  }
0x1c: {  	s21 =	simm.s32 $0x13080;
	s22 =	simm.s32 $0x13880;
	[dreg:$0x19] =	wrdreg s7  }
0x1d: {  	s6 =	sadd.s32 s5, s1;
	s5 =	smul.u32 $0x300, s5;
	[dreg:$0x1c] =	wrdreg s25  }
0x1e: {  	s23 =	simm.s32 $0x14080;
	[dreg:$0x1d] =	wrdreg s26;
	s6 =	sadd.s32 $0x2400, s6  }
0x1f: {  	s24 =	simm.s32 $0x14880;
	[dreg:$0x3] =	wrdreg s6;
	s3 =	sadd.s32 s3, s5  }
0x20: {  	s7 =	simm.s32 $0x2;
	s5 =	simm.s32 $0x2080;
	[dreg:$0x4] =	wrdreg s3  }
0x21: {  	s25 =	simm.s32 $0x15080;
	s6 =	simm.s32 $0x2880;
	[dreg:$0x8] =	wrdreg s5  }
0x22: {  	v2 =	vlaneseq.u32;
	s26 =	simm.s32 $0x15880;
	[dreg:$0x9] =	wrdreg s6;
	s3 =	sadd.s32 $0xF0E00, s1  }
0x23: {  	vm0 =	vmmov $0xffff;
	v1 =	vshrl.u32 v2, $0x3;
	s6 =	ssub.s32 s4, s20;
	s4 =	sadd.s32 $0xF0F00, s1;
	s5 =	sadd.s32 $0xF1000, s1  }
0x24: {  	v0 =	vand.u32 $0x7, v2;
	v2 =	vor.u32 $0x8, v2;
	v1 =	vmul.u32 $0x8, v1;
	s20 =	simm.s32 $0x12880;
	s1 =	simm.s32 $0x1;
	s6 =	smax.u32 s6, $0x1  }
.LBB2_1:
0x25: {  	s0 =	rddreg [dreg:$0x3]  }
0x26: {  	[tilespmem:s2], [sflag:$0x2] =	stream.linear.gather [hbm4b:s0+s2], $0x80, $0x38;
	[tilespmem:$0x18080] =	vst v63  }
0x27: {  	_ =	swait.ge [sflag:s7], $0x80  }
0x28: {  	[sflag:s7] =	ssyncset.done $0x0  }
0x29: {  	[sflag:s7] =	ssyncadd.s32 $0xFFFFFF80  }
0x2a: {  	v3 =	vld [tilespmem:$0x0];
	_ =	sdelay $0x4  }
0x2b: {  	v4 =	vshrl.u32 v3, $0x3  }
0x2c: {  	v4 =	vmul.u32 $0x30, v4  }
0x2d: {  	v3 =	vand.u32 $0x7, v3  }
0x2e: {  	v3 =	vor.u32 v3, v4  }
0x2f: {  	v4 =	vperm.xlane v3, v0;
	_ =	sdelay $0x1  }
0x30: {  	v4 =	vadd.s32 v1, v4;
	_ =	sdelay $0x3  }
0x31: {  	v3 =	vperm.xlane v3, v2  }
0x32: {  	[tilespmem:s8], [sflag:$0x1] =	stream.indirect_vreg.gather [hbm4b:s3+s2], $0x80, v4, vm0, $0xb8;
	[tilespmem:$0x18080] =	vst v63  }
0x33: {  	s0 =	rddreg [dreg:$0x5];
	v3 =	vadd.s32 v1, v3  }
0x34: {  	[tilespmem:s0], [sflag:$0x1] =	stream.indirect_vreg.gather [hbm4b:s4+s2], $0x80, v4, vm0, $0xb8;
	[tilespmem:$0x18080] =	vst v63  }
0x35: {  	s9 =	rddreg [dreg:$0x6]  }
0x36: {  	[tilespmem:s9], [sflag:$0x1] =	stream.indirect_vreg.gather [hbm4b:s5+s2], $0x80, v4, vm0, $0xb8;
	[tilespmem:$0x18080] =	vst v63  }
0x37: {  	s0 =	rddreg [dreg:$0x7]  }
0x38: {  	[tilespmem:s0], [sflag:$0x1] =	stream.indirect_vreg.gather [hbm4b:s3+s2], $0x80, v3, vm0, $0xb8;
	[tilespmem:$0x18080] =	vst v63  }
0x39: {  	s9 =	rddreg [dreg:$0x8]  }
0x3a: {  	[tilespmem:s9], [sflag:$0x1] =	stream.indirect_vreg.gather [hbm4b:s4+s2], $0x80, v3, vm0, $0xb8;
	[tilespmem:$0x18080] =	vst v63  }
0x3b: {  	s0 =	rddreg [dreg:$0x9]  }
0x3c: {  	[tilespmem:s0], [sflag:$0x1] =	stream.indirect_vreg.gather [hbm4b:s5+s2], $0x80, v3, vm0, $0xb8;
	[tilespmem:$0x18080] =	vst v63  }
0x3d: {  	v3 =	vld [tilespmem:$0x10];
	_ =	sdelay $0x4  }
0x3e: {  	v57 =	vshrl.u32 v3, $0x3  }
0x3f: {  	v4 =	vmul.u32 $0x30, v57  }
0x40: {  	v3 =	vand.u32 $0x7, v3  }
0x41: {  	v3 =	vor.u32 v3, v4  }
0x42: {  	v4 =	vperm.xlane v3, v0;
	_ =	sdelay $0x1  }
0x43: {  	v4 =	vadd.s32 v1, v4;
	_ =	sdelay $0x3  }
0x44: {  	s0 =	rddreg [dreg:$0xa];
	v3 =	vperm.xlane v3, v2  }
0x45: {  	[tilespmem:s0], [sflag:$0x1] =	stream.indirect_vreg.gather [hbm4b:s3+s2], $0x80, v4, vm0, $0xb8;
	[tilespmem:$0x18080] =	vst v63  }
0x46: {  	s9 =	rddreg [dreg:$0xb];
	v3 =	vadd.s32 v1, v3  }
0x47: {  	[tilespmem:s9], [sflag:$0x1] =	stream.indirect_vreg.gather [hbm4b:s4+s2], $0x80, v4, vm0, $0xb8;
	[tilespmem:$0x18080] =	vst v63  }
0x48: {  	s0 =	rddreg [dreg:$0xc]  }
0x49: {  	[tilespmem:s0], [sflag:$0x1] =	stream.indirect_vreg.gather [hbm4b:s5+s2], $0x80, v4, vm0, $0xb8;
	[tilespmem:$0x18080] =	vst v63  }
0x4a: {  	s9 =	rddreg [dreg:$0xd]  }
0x4b: {  	[tilespmem:s9], [sflag:$0x1] =	stream.indirect_vreg.gather [hbm4b:s3+s2], $0x80, v3, vm0, $0xb8;
	[tilespmem:$0x18080] =	vst v63  }
0x4c: {  	s0 =	rddreg [dreg:$0xe]  }
0x4d: {  	[tilespmem:s0], [sflag:$0x1] =	stream.indirect_vreg.gather [hbm4b:s4+s2], $0x80, v3, vm0, $0xb8;
	[tilespmem:$0x18080] =	vst v63  }
0x4e: {  	s9 =	rddreg [dreg:$0xf]  }
0x4f: {  	[tilespmem:s9], [sflag:$0x1] =	stream.indirect_vreg.gather [hbm4b:s5+s2], $0x80, v3, vm0, $0xb8;
	[tilespmem:$0x18080] =	vst v63  }
0x50: {  	v3 =	vld [tilespmem:$0x20];
	_ =	sdelay $0x4  }
0x51: {  	v58 =	vshrl.u32 v3, $0x3  }
0x52: {  	v4 =	vmul.u32 $0x30, v58  }
0x53: {  	v3 =	vand.u32 $0x7, v3  }
0x54: {  	v3 =	vor.u32 v3, v4  }
0x55: {  	v4 =	vperm.xlane v3, v0;
	_ =	sdelay $0x1  }
0x56: {  	v4 =	vadd.s32 v1, v4;
	_ =	sdelay $0x3  }
0x57: {  	s0 =	rddreg [dreg:$0x10];
	v3 =	vperm.xlane v3, v2  }
0x58: {  	[tilespmem:s0], [sflag:$0x1] =	stream.indirect_vreg.gather [hbm4b:s3+s2], $0x80, v4, vm0, $0xb8;
	[tilespmem:$0x18080] =	vst v63  }
0x59: {  	s9 =	rddreg [dreg:$0x11];
	v3 =	vadd.s32 v1, v3  }
0x5a: {  	[tilespmem:s9], [sflag:$0x1] =	stream.indirect_vreg.gather [hbm4b:s4+s2], $0x80, v4, vm0, $0xb8;
	[tilespmem:$0x18080] =	vst v63  }
0x5b: {  	s0 =	rddreg [dreg:$0x12]  }
0x5c: {  	[tilespmem:s0], [sflag:$0x1] =	stream.indirect_vreg.gather [hbm4b:s5+s2], $0x80, v4, vm0, $0xb8;
	[tilespmem:$0x18080] =	vst v63  }
0x5d: {  	s9 =	rddreg [dreg:$0x13]  }
0x5e: {  	[tilespmem:s9], [sflag:$0x1] =	stream.indirect_vreg.gather [hbm4b:s3+s2], $0x80, v3, vm0, $0xb8;
	[tilespmem:$0x18080] =	vst v63  }
0x5f: {  	s0 =	rddreg [dreg:$0x14]  }
0x60: {  	[tilespmem:s0], [sflag:$0x1] =	stream.indirect_vreg.gather [hbm4b:s4+s2], $0x80, v3, vm0, $0xb8;
	[tilespmem:$0x18080] =	vst v63  }
0x61: {  	s9 =	rddreg [dreg:$0x15]  }
0x62: {  	[tilespmem:s9], [sflag:$0x1] =	stream.indirect_vreg.gather [hbm4b:s5+s2], $0x80, v3, vm0, $0xb8;
	[tilespmem:$0x18080] =	vst v63  }
0x63: {  	v3 =	vld [tilespmem:$0x30];
	_ =	sdelay $0x4  }
0x64: {  	v59 =	vshrl.u32 v3, $0x3  }
0x65: {  	v4 =	vmul.u32 $0x30, v59  }
0x66: {  	v3 =	vand.u32 $0x7, v3  }
0x67: {  	v3 =	vor.u32 v3, v4  }
0x68: {  	v4 =	vperm.xlane v3, v0;
	_ =	sdelay $0x1  }
0x69: {  	v4 =	vadd.s32 v1, v4;
	_ =	sdelay $0x3  }
0x6a: {  	s0 =	rddreg [dreg:$0x16];
	v3 =	vperm.xlane v3, v2  }
0x6b: {  	[tilespmem:s0], [sflag:$0x1] =	stream.indirect_vreg.gather [hbm4b:s3+s2], $0x80, v4, vm0, $0xb8;
	[tilespmem:$0x18080] =	vst v63  }
0x6c: {  	s9 =	rddreg [dreg:$0x17];
	v3 =	vadd.s32 v1, v3  }
0x6d: {  	[tilespmem:s9], [sflag:$0x1] =	stream.indirect_vreg.gather [hbm4b:s4+s2], $0x80, v4, vm0, $0xb8;
	[tilespmem:$0x18080] =	vst v63  }
0x6e: {  	s0 =	rddreg [dreg:$0x18]  }
0x6f: {  	[tilespmem:s0], [sflag:$0x1] =	stream.indirect_vreg.gather [hbm4b:s5+s2], $0x80, v4, vm0, $0xb8;
	[tilespmem:$0x18080] =	vst v63  }
0x70: {  	s9 =	rddreg [dreg:$0x19]  }
0x71: {  	[tilespmem:s9], [sflag:$0x1] =	stream.indirect_vreg.gather [hbm4b:s3+s2], $0x80, v3, vm0, $0xb8;
	[tilespmem:$0x18080] =	vst v63  }
0x72: {  	s0 =	rddreg [dreg:$0x1a]  }
0x73: {  	[tilespmem:s0], [sflag:$0x1] =	stream.indirect_vreg.gather [hbm4b:s4+s2], $0x80, v3, vm0, $0xb8;
	[tilespmem:$0x18080] =	vst v63  }
0x74: {  	s9 =	rddreg [dreg:$0x1b]  }
0x75: {  	[tilespmem:s9], [sflag:$0x1] =	stream.indirect_vreg.gather [hbm4b:s5+s2], $0x80, v3, vm0, $0xb8;
	[tilespmem:$0x18080] =	vst v63  }
0x76: {  	v3 =	vld [tilespmem:$0x40];
	_ =	sdelay $0x4  }
0x77: {  	v60 =	vshrl.u32 v3, $0x3  }
0x78: {  	v4 =	vmul.u32 $0x30, v60  }
0x79: {  	v3 =	vand.u32 $0x7, v3  }
0x7a: {  	v3 =	vor.u32 v3, v4  }
0x7b: {  	v4 =	vperm.xlane v3, v0;
	_ =	sdelay $0x1  }
0x7c: {  	v4 =	vadd.s32 v1, v4;
	_ =	sdelay $0x3  }
0x7d: {  	s0 =	rddreg [dreg:$0x1c];
	v3 =	vperm.xlane v3, v2  }
0x7e: {  	[tilespmem:s0], [sflag:$0x1] =	stream.indirect_vreg.gather [hbm4b:s3+s2], $0x80, v4, vm0, $0xb8;
	[tilespmem:$0x18080] =	vst v63  }
0x7f: {  	s9 =	rddreg [dreg:$0x1d];
	v3 =	vadd.s32 v1, v3  }
0x80: {  	[tilespmem:s9], [sflag:$0x1] =	stream.indirect_vreg.gather [hbm4b:s4+s2], $0x80, v4, vm0, $0xb8;
	[tilespmem:$0x18080] =	vst v63  }
0x81: {  	s9 =	simm.s32 $0xD080  }
0x82: {  	[tilespmem:s9], [sflag:$0x1] =	stream.indirect_vreg.gather [hbm4b:s5+s2], $0x80, v4, vm0, $0xb8;
	[tilespmem:$0x18080] =	vst v63  }
0x83: {  	_ = 	snop  }
0x84: {  	[tilespmem:s10], [sflag:$0x1] =	stream.indirect_vreg.gather [hbm4b:s3+s2], $0x80, v3, vm0, $0xb8;
	[tilespmem:$0x18080] =	vst v63  }
0x85: {  	_ = 	snop  }
0x86: {  	[tilespmem:s11], [sflag:$0x1] =	stream.indirect_vreg.gather [hbm4b:s4+s2], $0x80, v3, vm0, $0xb8;
	[tilespmem:$0x18080] =	vst v63  }
0x87: {  	_ = 	snop  }
0x88: {  	[tilespmem:s12], [sflag:$0x1] =	stream.indirect_vreg.gather [hbm4b:s5+s2], $0x80, v3, vm0, $0xb8;
	[tilespmem:$0x18080] =	vst v63  }
0x89: {  	v3 =	vld [tilespmem:$0x50];
	_ =	sdelay $0x4  }
0x8a: {  	v61 =	vshrl.u32 v3, $0x3  }
0x8b: {  	v4 =	vmul.u32 $0x30, v61  }
0x8c: {  	v3 =	vand.u32 $0x7, v3  }
0x8d: {  	v3 =	vor.u32 v3, v4  }
0x8e: {  	v4 =	vperm.xlane v3, v0;
	_ =	sdelay $0x1  }
0x8f: {  	v4 =	vadd.s32 v1, v4;
	_ =	sdelay $0x3  }
0x90: {  	v3 =	vperm.xlane v3, v2  }
0x91: {  	[tilespmem:s13], [sflag:$0x1] =	stream.indirect_vreg.gather [hbm4b:s3+s2], $0x80, v4, vm0, $0xb8;
	[tilespmem:$0x18080] =	vst v63  }
0x92: {  	v3 =	vadd.s32 v1, v3  }
0x93: {  	[tilespmem:s14], [sflag:$0x1] =	stream.indirect_vreg.gather [hbm4b:s4+s2], $0x80, v4, vm0, $0xb8;
	[tilespmem:$0x18080] =	vst v63  }
0x94: {  	_ = 	snop  }
0x95: {  	[tilespmem:s15], [sflag:$0x1] =	stream.indirect_vreg.gather [hbm4b:s5+s2], $0x80, v4, vm0, $0xb8;
	[tilespmem:$0x18080] =	vst v63  }
0x96: {  	_ = 	snop  }
0x97: {  	[tilespmem:s16], [sflag:$0x1] =	stream.indirect_vreg.gather [hbm4b:s3+s2], $0x80, v3, vm0, $0xb8;
	[tilespmem:$0x18080] =	vst v63  }
0x98: {  	_ = 	snop  }
0x99: {  	[tilespmem:s17], [sflag:$0x1] =	stream.indirect_vreg.gather [hbm4b:s4+s2], $0x80, v3, vm0, $0xb8;
	[tilespmem:$0x18080] =	vst v63  }
0x9a: {  	_ = 	snop  }
0x9b: {  	[tilespmem:s18], [sflag:$0x1] =	stream.indirect_vreg.gather [hbm4b:s5+s2], $0x80, v3, vm0, $0xb8;
	[tilespmem:$0x18080] =	vst v63  }
0x9c: {  	v3 =	vld [tilespmem:$0x60];
	_ =	sdelay $0x4  }
0x9d: {  	v62 =	vshrl.u32 v3, $0x3  }
0x9e: {  	v4 =	vmul.u32 $0x30, v62  }
0x9f: {  	v3 =	vand.u32 $0x7, v3  }
0xa0: {  	v3 =	vor.u32 v3, v4  }
0xa1: {  	v4 =	vperm.xlane v3, v0;
	_ =	sdelay $0x1  }
0xa2: {  	v4 =	vadd.s32 v1, v4;
	_ =	sdelay $0x3  }
0xa3: {  	v3 =	vperm.xlane v3, v2  }
0xa4: {  	[tilespmem:s19], [sflag:$0x1] =	stream.indirect_vreg.gather [hbm4b:s3+s2], $0x80, v4, vm0, $0xb8;
	[tilespmem:$0x18080] =	vst v63  }
0xa5: {  	v3 =	vadd.s32 v1, v3  }
0xa6: {  	[tilespmem:s20], [sflag:$0x1] =	stream.indirect_vreg.gather [hbm4b:s4+s2], $0x80, v4, vm0, $0xb8;
	[tilespmem:$0x18080] =	vst v63  }
0xa7: {  	_ = 	snop  }
0xa8: {  	[tilespmem:s21], [sflag:$0x1] =	stream.indirect_vreg.gather [hbm4b:s5+s2], $0x80, v4, vm0, $0xb8;
	[tilespmem:$0x18080] =	vst v63  }
0xa9: {  	_ = 	snop  }
0xaa: {  	[tilespmem:s22], [sflag:$0x1] =	stream.indirect_vreg.gather [hbm4b:s3+s2], $0x80, v3, vm0, $0xb8;
	[tilespmem:$0x18080] =	vst v63  }
0xab: {  	_ = 	snop  }
0xac: {  	[tilespmem:s23], [sflag:$0x1] =	stream.indirect_vreg.gather [hbm4b:s4+s2], $0x80, v3, vm0, $0xb8;
	[tilespmem:$0x18080] =	vst v63  }
0xad: {  	_ = 	snop  }
0xae: {  	[tilespmem:s24], [sflag:$0x1] =	stream.indirect_vreg.gather [hbm4b:s5+s2], $0x80, v3, vm0, $0xb8;
	[tilespmem:$0x18080] =	vst v63  }
0xaf: {  	v3 =	vld [tilespmem:$0x70];
	_ =	sdelay $0x4  }
0xb0: {  	v63 =	vshrl.u32 v3, $0x3  }
0xb1: {  	v4 =	vmul.u32 $0x30, v63  }
0xb2: {  	v3 =	vand.u32 $0x7, v3  }
0xb3: {  	v3 =	vor.u32 v3, v4  }
0xb4: {  	v4 =	vperm.xlane v3, v0;
	_ =	sdelay $0x1  }
0xb5: {  	v4 =	vadd.s32 v1, v4;
	_ =	sdelay $0x3  }
0xb6: {  	v3 =	vperm.xlane v3, v2  }
0xb7: {  	[tilespmem:s25], [sflag:$0x1] =	stream.indirect_vreg.gather [hbm4b:s3+s2], $0x80, v4, vm0, $0xb8;
	[tilespmem:$0x18080] =	vst v63  }
0xb8: {  	v3 =	vadd.s32 v1, v3  }
0xb9: {  	[tilespmem:s26], [sflag:$0x1] =	stream.indirect_vreg.gather [hbm4b:s4+s2], $0x80, v4, vm0, $0xb8;
	[tilespmem:$0x18080] =	vst v63  }
0xba: {  	_ = 	snop  }
0xbb: {  	[tilespmem:s28], [sflag:$0x1] =	stream.indirect_vreg.gather [hbm4b:s5+s2], $0x80, v4, vm0, $0xb8;
	[tilespmem:$0x18080] =	vst v63  }
0xbc: {  	_ = 	snop  }
0xbd: {  	[tilespmem:s29], [sflag:$0x1] =	stream.indirect_vreg.gather [hbm4b:s3+s2], $0x80, v3, vm0, $0xb8;
	[tilespmem:$0x18080] =	vst v63  }
0xbe: {  	_ = 	snop  }
0xbf: {  	[tilespmem:s30], [sflag:$0x1] =	stream.indirect_vreg.gather [hbm4b:s4+s2], $0x80, v3, vm0, $0xb8;
	[tilespmem:$0x18080] =	vst v63  }
0xc0: {  	_ = 	snop  }
0xc1: {  	[tilespmem:s31], [sflag:$0x1] =	stream.indirect_vreg.gather [hbm4b:s5+s2], $0x80, v3, vm0, $0xb8;
	[tilespmem:$0x18080] =	vst v63  }
0xc2: {  	_ =	swait.ge [sflag:s1], $0x18000  }
0xc3: {  	p0 =	sne.s32 s6, $0x1;
	[sflag:s1] =	ssyncset.done $0x0  }
.Ltmp0:
0xc4: {  	s9 =	rddreg [dreg:$0x4];
	[sflag:s1] =	ssyncadd.s32 $0xFFFE8000;
	(pc) =	sbr.rel @p0 .LBB2_1-.Ltmp0, $4  }
0xc5: {  	[hbm4b:s9+s2] =	stream.linear.scatter [tilespmem:s8], [sflag:$0x2], $0x18000, $0x38;
	[tilespmem:$0x18080] =	vst v63  }
0xc6: {  	_ =	swait.ge [sflag:s7], $0x18000  }
0xc7: {  	[sflag:s7] =	ssyncset.done $0x0  }
0xc8: {  	s6 =	sadd.s32 $0xFFFFFFFF, s6;
	[sflag:s7] =	ssyncadd.s32 $0xFFFE8000  }
0xc9: {  	_ =	sfence.sel $0x180000  }
0xca: {  	[bflag:$0x0] =	sbarrier.arrive $0xFFFF  }
0xcb: {  	_ =	strace $0x9000004A  }
0xcc: {  	s0 =	stileid.u32;
	[bflag:$0x2] =	sbarrier.arrive $0xFFFF  }
0xcd: {  	p0 =	sne.s32 s0, $0x0;
	s0 =	rddreg [dreg:$0x2]  }
0xce: {  	s0 =	sadd.s32 @!p0 $0x100000, s0  }
0xcf: {  	[sflag:s0] =	ssyncadd.tile.s32 @!p0 $0x1;
	_ =	shalt  }
.Lfunc_end2:
_tile_overlayer_lowered:
.L_overlay_start_2:
0xd0: {  	(tag) =	ssettag $0x2  }
0xd1: {  	s0 =	rddreg [dreg:$0x0];
	s2 =	stileid.u32  }
0xd2: {  	s1 =	rddreg [dreg:$0x1];
	p0 =	sne.s32 s2, $0x0  }
0xd3: {  	s3 =	rddreg [dreg:$0x2];
	[bflag:$0x3] =	sbarrier.arrive $0xFFFF;
	s2 =	simm.s32 @!p0 $0x1C02  }
0xd4: {  	[timem:s3], [sflag:s2] =	dma.local @!p0 [hbm:s0], s1  }
0xd5: {  	s0 =	simm.s32 @!p0 $0x2  }
0xd6: {  	_ =	swait.ge @!p0 [sflag:s0], s1  }
0xd7: {  	s1 =	ssub.s32 @!p0 $0x0, s1;
	[sflag:s0] =	ssyncset.done @!p0 $0x0  }
0xd8: {  	[sflag:s0] =	ssyncadd.s32 @!p0 s1  }
0xd9: {  	[bflag:$0x3] =	sbarrier.arrive $0xFFFF  }
0xda: {  	_ =	shalt  }

</sc_bundles>
